<compile_context>
chip_gen: v7x
topology: tpu7x:2x2x1
jax: 0.10.2.dev20260603
libtpu: 0.0.44.dev20260713+nightly
codegen_flags: <defaults>
</compile_context>

<pallas_src>
import jax
import jax.numpy as jnp
from jax import lax
from jax.experimental import pallas as pl
from jax.experimental.pallas import tpu as pltpu
from jax.experimental.pallas import tpu_sc as plsc

_NUM_ATOMS = 320000
_FEA = 128
_NUM_SEG = 10000
_NC = 2
_NS = 16
_COLS = _FEA // _NC
_APT = _NUM_ATOMS // _NS
_CHUNK = 80
_NCHUNK = _APT // _CHUNK
_ROWS_PT = _NUM_SEG // _NS
_ZROWS = 125


def _body(feas, owner2, out, rb0, rb1, rb2, rb3, rb4, rb5, rb6, rb7,
          obig, zbuf, acc, bsem,
          lsem0, lsem1, lsem2, lsem3, lsem4, lsem5, lsem6, lsem7,
          ssem0, ssem1, ssem2, ssem3, ssem4, ssem5, ssem6, ssem7):
    c = lax.axis_index("c")
    s = lax.axis_index("s")
    col0 = c * _COLS
    base = s * _APT
    rb = (rb0, rb1, rb2, rb3, rb4, rb5, rb6, rb7)
    lsem = (lsem0, lsem1, lsem2, lsem3, lsem4, lsem5, lsem6, lsem7)
    ssem = (ssem0, ssem1, ssem2, ssem3, ssem4, ssem5, ssem6, ssem7)

    def _rows_at(a0):
        return feas.at[pl.ds(a0, _CHUNK), pl.ds(col0, _COLS)]

    def _issue_load(k, b):
        pltpu.async_copy(_rows_at(base + k * _CHUNK), rb[b], lsem[b])

    def _wait_load(b):
        pltpu.make_async_copy(_rows_at(base), rb[b], lsem[b]).wait()

    def _start_scatter(k, b):
        pltpu.make_async_copy(
            rb[b], acc.at[obig.at[k]], ssem[b]).start(add=True)

    def _wait_scatter(b):
        pltpu.make_async_copy(rb[b], acc.at[obig.at[0]], ssem[b]).wait()

    pltpu.async_copy(owner2.at[pl.ds(s * _NCHUNK, _NCHUNK), :], obig, bsem)
    for b in range(6):
        _issue_load(b, b)

    def _zrow(i, carry):
        for j in range(_COLS // 16):
            zbuf[i, pl.ds(j * 16, 16)] = jnp.zeros((16,), jnp.float32)
        return carry

    lax.fori_loop(0, _ZROWS, _zrow, 0)
    r0 = s * _ROWS_PT
    for j in range(_ROWS_PT // _ZROWS):
        pltpu.async_copy(
            zbuf, acc.at[pl.ds(r0 + j * _ZROWS, _ZROWS), :], ssem[j])
    for j in range(_ROWS_PT // _ZROWS):
        pltpu.make_async_copy(
            zbuf, acc.at[pl.ds(r0 + j * _ZROWS, _ZROWS), :], ssem[j]).wait()
    pltpu.make_async_copy(
        owner2.at[pl.ds(s * _NCHUNK, _NCHUNK), :], obig, bsem).wait()
    plsc.subcore_barrier()

    for k in range(2):
        _wait_load(k)
        _start_scatter(k, k)
        _issue_load(k + 6, k + 6)

    def _oct(i, carry):
        for j in range(8):
            k = 2 + 8 * i + j
            b = (2 + j) % 8
            _wait_load(b)
            _start_scatter(k, b)
            bn = j
            _wait_scatter(bn)
            kn = jnp.minimum(k + 6, _NCHUNK - 1)
            _issue_load(kn, bn)
        return carry

    lax.fori_loop(0, (_NCHUNK - 2) // 8, _oct, 0)
    for b in range(6):
        _wait_load(b + 2)
    for b in range(2):
        _wait_scatter(b)
    plsc.subcore_barrier()

    pltpu.sync_copy(
        acc.at[pl.ds(r0, _ROWS_PT), :],
        out.at[pl.ds(r0, _ROWS_PT), pl.ds(col0, _COLS)],
    )


_pool = pl.kernel(
    _body,
    out_type=jax.ShapeDtypeStruct((_NUM_SEG, _FEA), jnp.float32),
    mesh=plsc.VectorSubcoreMesh(
        core_axis_name="c", subcore_axis_name="s", num_cores=_NC,
        num_subcores=_NS,
    ),
    scratch_types=(
        [pltpu.VMEM((_CHUNK, _COLS), jnp.float32)] * 8
        + [
            pltpu.VMEM((_NCHUNK, _CHUNK), jnp.int32),
            pltpu.VMEM((_ZROWS, _COLS), jnp.float32),
            pltpu.VMEM_SHARED((_NUM_SEG, _COLS), jnp.float32),
        ]
        + [pltpu.SemaphoreType.DMA] * 17
    ),
    compiler_params=pltpu.CompilerParams(use_tc_tiling_on_sc=False),
)


@jax.jit
def kernel(atom_feas, atom_owner):
    owner2 = atom_owner.astype(jnp.int32).reshape(
        _NUM_ATOMS // _CHUNK, _CHUNK)
    return _pool(atom_feas, owner2)

# --- scband reference (transcript-rebuilt; emitter-appended) ---
"""Pipeline reference for scband-graph-pooling-17437567222210 (READ-ONLY COPY).

The authoritative reference and input builder live on the scoring server;
editing this copy changes nothing except your own understanding.
"""

import jax, jax.numpy as jnp
import numpy as np

NUM_ATOMS = 320000
FEA_DIM = 128
NUM_GRAPHS = 10000
AVERAGE = False


def setup_inputs(seed: int = 0) -> dict:
    key = jax.random.key(seed)
    k1, k2 = jax.random.split(key)
    atom_feas = jax.random.normal(k1, (NUM_ATOMS, FEA_DIM), dtype=jnp.float32)
    atom_owner = jnp.sort(jax.random.randint(k2, (NUM_ATOMS,), 0, NUM_GRAPHS, dtype=jnp.int64))
    return {"atom_feas": atom_feas, "atom_owner": atom_owner}


def reference(atom_feas, atom_owner):
    # aggregate: scatter-add atom features into per-graph (crystal) slots
    crystal_feas = jax.ops.segment_sum(atom_feas, atom_owner, num_segments=NUM_GRAPHS)
    if AVERAGE:
        counts = jax.ops.segment_sum(jnp.ones((atom_feas.shape[0],), dtype=atom_feas.dtype), atom_owner, num_segments=NUM_GRAPHS)
        crystal_feas = crystal_feas / jnp.clip(counts, 1.0, None)[:, None]
    return crystal_feas

if __name__ == "__main__":
    import jax
    _d = setup_inputs()
    print(jax.jit(kernel)(*tuple(_d.values())))

</pallas_src>

<mosaic_0001>
#map = affine_map<(d0, d1) -> (0, 0)>
module attributes {stable_mosaic.version = 14 : i64} {
  func.func @_body(%arg0: i32, %arg1: i32, %arg2: memref<320000x128xf32, #tpu.memory_space<hbm>>, %arg3: memref<4000x80xi32, #tpu.memory_space<hbm>>, %arg4: memref<10000x128xf32, #tpu.memory_space<hbm>>, %arg5: memref<80x64xf32, #tpu.memory_space<vmem>>, %arg6: memref<80x64xf32, #tpu.memory_space<vmem>>, %arg7: memref<80x64xf32, #tpu.memory_space<vmem>>, %arg8: memref<80x64xf32, #tpu.memory_space<vmem>>, %arg9: memref<80x64xf32, #tpu.memory_space<vmem>>, %arg10: memref<80x64xf32, #tpu.memory_space<vmem>>, %arg11: memref<80x64xf32, #tpu.memory_space<vmem>>, %arg12: memref<80x64xf32, #tpu.memory_space<vmem>>, %arg13: memref<250x80xi32, #tpu.memory_space<vmem>>, %arg14: memref<125x64xf32, #tpu.memory_space<vmem>>, %arg15: memref<10000x64xf32, #tpu.memory_space<vmem_shared>>, %arg16: memref<!tpu.dma_semaphore, #tpu.memory_space<semaphore_mem>>, %arg17: memref<!tpu.dma_semaphore, #tpu.memory_space<semaphore_mem>>, %arg18: memref<!tpu.dma_semaphore, #tpu.memory_space<semaphore_mem>>, %arg19: memref<!tpu.dma_semaphore, #tpu.memory_space<semaphore_mem>>, %arg20: memref<!tpu.dma_semaphore, #tpu.memory_space<semaphore_mem>>, %arg21: memref<!tpu.dma_semaphore, #tpu.memory_space<semaphore_mem>>, %arg22: memref<!tpu.dma_semaphore, #tpu.memory_space<semaphore_mem>>, %arg23: memref<!tpu.dma_semaphore, #tpu.memory_space<semaphore_mem>>, %arg24: memref<!tpu.dma_semaphore, #tpu.memory_space<semaphore_mem>>, %arg25: memref<!tpu.dma_semaphore, #tpu.memory_space<semaphore_mem>>, %arg26: memref<!tpu.dma_semaphore, #tpu.memory_space<semaphore_mem>>, %arg27: memref<!tpu.dma_semaphore, #tpu.memory_space<semaphore_mem>>, %arg28: memref<!tpu.dma_semaphore, #tpu.memory_space<semaphore_mem>>, %arg29: memref<!tpu.dma_semaphore, #tpu.memory_space<semaphore_mem>>, %arg30: memref<!tpu.dma_semaphore, #tpu.memory_space<semaphore_mem>>, %arg31: memref<!tpu.dma_semaphore, #tpu.memory_space<semaphore_mem>>, %arg32: memref<!tpu.dma_semaphore, #tpu.memory_space<semaphore_mem>>) attributes {dimension_semantics = [#tpu.dimension_semantics<core_parallel>, #tpu.dimension_semantics<subcore_parallel>], iteration_bounds = array<i64: 2, 16>, scalar_prefetch = 0 : i64, scratch_operands = 28 : i64, tpu.core_type = #tpu.core_type<sc_vector_subcore>, window_params = [{transform_indices = #map}, {transform_indices = #map}, {transform_indices = #map}]} {
    %mul3A = arith.constant 64 : i32
    %mul3A_0 = arith.muli %arg0, %mul3A : i32
    %mul3A_1 = arith.constant 20000 : i32
    %mul3A_2 = arith.muli %arg1, %mul3A_1 : i32
    %mul3A_3 = arith.constant 250 : i32
    %mul3A_4 = arith.muli %arg1, %mul3A_3 : i32
    %dma_start3A = arith.constant 0 : i32
    %dma_start3A_5 = tpu.memref_slice %arg3[%mul3A_4, %dma_start3A] : memref<4000x80xi32, #tpu.memory_space<hbm>> -> memref<250x80xi32, #tpu.memory_space<hbm>>
    %dma_start3A_6 = arith.constant 0 : i32
    %dma_start3A_7 = tpu.memref_slice %arg3[%mul3A_4, %dma_start3A_6] : memref<4000x80xi32, #tpu.memory_space<hbm>> -> memref<250x80xi32, #tpu.memory_space<hbm>>
    tpu.enqueue_dma source(%dma_start3A_7 : memref<250x80xi32, #tpu.memory_space<hbm>>) target(%arg13 : memref<250x80xi32, #tpu.memory_space<vmem>>) target_semaphore(%arg16 : memref<!tpu.dma_semaphore, #tpu.memory_space<semaphore_mem>>)
    %add3A = arith.constant 0 : i32
    %add3A_8 = arith.addi %mul3A_2, %add3A : i32
    %dma_start3A_9 = tpu.memref_slice %arg2[%add3A_8, %mul3A_0] : memref<320000x128xf32, #tpu.memory_space<hbm>> -> memref<80x64xf32, #tpu.memory_space<hbm>>
    %dma_start3A_10 = tpu.memref_slice %arg2[%add3A_8, %mul3A_0] : memref<320000x128xf32, #tpu.memory_space<hbm>> -> memref<80x64xf32, #tpu.memory_space<hbm>>
    tpu.enqueue_dma source(%dma_start3A_10 : memref<80x64xf32, #tpu.memory_space<hbm>>) target(%arg5 : memref<80x64xf32, #tpu.memory_space<vmem>>) target_semaphore(%arg17 : memref<!tpu.dma_semaphore, #tpu.memory_space<semaphore_mem>>)
    %add3A_11 = arith.constant 80 : i32
    %add3A_12 = arith.addi %mul3A_2, %add3A_11 : i32
    %dma_start3A_13 = tpu.memref_slice %arg2[%add3A_12, %mul3A_0] : memref<320000x128xf32, #tpu.memory_space<hbm>> -> memref<80x64xf32, #tpu.memory_space<hbm>>
    %dma_start3A_14 = tpu.memref_slice %arg2[%add3A_12, %mul3A_0] : memref<320000x128xf32, #tpu.memory_space<hbm>> -> memref<80x64xf32, #tpu.memory_space<hbm>>
    tpu.enqueue_dma source(%dma_start3A_14 : memref<80x64xf32, #tpu.memory_space<hbm>>) target(%arg6 : memref<80x64xf32, #tpu.memory_space<vmem>>) target_semaphore(%arg18 : memref<!tpu.dma_semaphore, #tpu.memory_space<semaphore_mem>>)
    %add3A_15 = arith.constant 160 : i32
    %add3A_16 = arith.addi %mul3A_2, %add3A_15 : i32
    %dma_start3A_17 = tpu.memref_slice %arg2[%add3A_16, %mul3A_0] : memref<320000x128xf32, #tpu.memory_space<hbm>> -> memref<80x64xf32, #tpu.memory_space<hbm>>
    %dma_start3A_18 = tpu.memref_slice %arg2[%add3A_16, %mul3A_0] : memref<320000x128xf32, #tpu.memory_space<hbm>> -> memref<80x64xf32, #tpu.memory_space<hbm>>
    tpu.enqueue_dma source(%dma_start3A_18 : memref<80x64xf32, #tpu.memory_space<hbm>>) target(%arg7 : memref<80x64xf32, #tpu.memory_space<vmem>>) target_semaphore(%arg19 : memref<!tpu.dma_semaphore, #tpu.memory_space<semaphore_mem>>)
    %add3A_19 = arith.constant 240 : i32
    %add3A_20 = arith.addi %mul3A_2, %add3A_19 : i32
    %dma_start3A_21 = tpu.memref_slice %arg2[%add3A_20, %mul3A_0] : memref<320000x128xf32, #tpu.memory_space<hbm>> -> memref<80x64xf32, #tpu.memory_space<hbm>>
    %dma_start3A_22 = tpu.memref_slice %arg2[%add3A_20, %mul3A_0] : memref<320000x128xf32, #tpu.memory_space<hbm>> -> memref<80x64xf32, #tpu.memory_space<hbm>>
    tpu.enqueue_dma source(%dma_start3A_22 : memref<80x64xf32, #tpu.memory_space<hbm>>) target(%arg8 : memref<80x64xf32, #tpu.memory_space<vmem>>) target_semaphore(%arg20 : memref<!tpu.dma_semaphore, #tpu.memory_space<semaphore_mem>>)
    %add3A_23 = arith.constant 320 : i32
    %add3A_24 = arith.addi %mul3A_2, %add3A_23 : i32
    %dma_start3A_25 = tpu.memref_slice %arg2[%add3A_24, %mul3A_0] : memref<320000x128xf32, #tpu.memory_space<hbm>> -> memref<80x64xf32, #tpu.memory_space<hbm>>
    %dma_start3A_26 = tpu.memref_slice %arg2[%add3A_24, %mul3A_0] : memref<320000x128xf32, #tpu.memory_space<hbm>> -> memref<80x64xf32, #tpu.memory_space<hbm>>
    tpu.enqueue_dma source(%dma_start3A_26 : memref<80x64xf32, #tpu.memory_space<hbm>>) target(%arg9 : memref<80x64xf32, #tpu.memory_space<vmem>>) target_semaphore(%arg21 : memref<!tpu.dma_semaphore, #tpu.memory_space<semaphore_mem>>)
    %add3A_27 = arith.constant 400 : i32
    %add3A_28 = arith.addi %mul3A_2, %add3A_27 : i32
    %dma_start3A_29 = tpu.memref_slice %arg2[%add3A_28, %mul3A_0] : memref<320000x128xf32, #tpu.memory_space<hbm>> -> memref<80x64xf32, #tpu.memory_space<hbm>>
    %dma_start3A_30 = tpu.memref_slice %arg2[%add3A_28, %mul3A_0] : memref<320000x128xf32, #tpu.memory_space<hbm>> -> memref<80x64xf32, #tpu.memory_space<hbm>>
    tpu.enqueue_dma source(%dma_start3A_30 : memref<80x64xf32, #tpu.memory_space<hbm>>) target(%arg10 : memref<80x64xf32, #tpu.memory_space<vmem>>) target_semaphore(%arg22 : memref<!tpu.dma_semaphore, #tpu.memory_space<semaphore_mem>>)
    %scan3A = arith.constant 0 : i32
    %scan3A_31 = arith.constant 0 : i32
    %scan3A_32 = arith.constant 125 : i32
    %scan3A_33 = arith.addi %scan3A_31, %scan3A_32 : i32
    %scan3A_34 = arith.constant 1 : i32
    scf.for %scan3A_162 = %scan3A_31 to %scan3A_33 step %scan3A_34  : i32 {
      %broadcast_in_dim3A = arith.constant 0.000000e+00 : f32
      %broadcast_in_dim3A_163 = vector.broadcast %broadcast_in_dim3A : f32 to vector<16xf32>
      %swap3A = arith.index_cast %scan3A_162 : i32 to index
      %swap3A_164 = arith.constant 0 : index
      %swap3A_165 = tpu.vector_load %arg14[%swap3A, %swap3A_164] {strides = array<i32>} : memref<125x64xf32, #tpu.memory_space<vmem>>, vector<1x16xf32>,
      %swap3A_166 = vector.shape_cast %swap3A_165 : vector<1x16xf32> to vector<16xf32>
      %swap3A_167 = vector.shape_cast %broadcast_in_dim3A_163 : vector<16xf32> to vector<1x16xf32>
      tpu.vector_store %arg14[%swap3A, %swap3A_164], %swap3A_167 {strides = array<i32>} : memref<125x64xf32, #tpu.memory_space<vmem>>, vector<1x16xf32>,
      %broadcast_in_dim3A_168 = arith.constant 0.000000e+00 : f32
      %broadcast_in_dim3A_169 = vector.broadcast %broadcast_in_dim3A_168 : f32 to vector<16xf32>
      %swap3A_170 = arith.index_cast %scan3A_162 : i32 to index
      %swap3A_171 = arith.constant 16 : index
      %swap3A_172 = tpu.vector_load %arg14[%swap3A_170, %swap3A_171] {strides = array<i32>} : memref<125x64xf32, #tpu.memory_space<vmem>>, vector<1x16xf32>,
      %swap3A_173 = vector.shape_cast %swap3A_172 : vector<1x16xf32> to vector<16xf32>
      %swap3A_174 = vector.shape_cast %broadcast_in_dim3A_169 : vector<16xf32> to vector<1x16xf32>
      tpu.vector_store %arg14[%swap3A_170, %swap3A_171], %swap3A_174 {strides = array<i32>} : memref<125x64xf32, #tpu.memory_space<vmem>>, vector<1x16xf32>,
      %broadcast_in_dim3A_175 = arith.constant 0.000000e+00 : f32
      %broadcast_in_dim3A_176 = vector.broadcast %broadcast_in_dim3A_175 : f32 to vector<16xf32>
      %swap3A_177 = arith.index_cast %scan3A_162 : i32 to index
      %swap3A_178 = arith.constant 32 : index
      %swap3A_179 = tpu.vector_load %arg14[%swap3A_177, %swap3A_178] {strides = array<i32>} : memref<125x64xf32, #tpu.memory_space<vmem>>, vector<1x16xf32>,
      %swap3A_180 = vector.shape_cast %swap3A_179 : vector<1x16xf32> to vector<16xf32>
      %swap3A_181 = vector.shape_cast %broadcast_in_dim3A_176 : vector<16xf32> to vector<1x16xf32>
      tpu.vector_store %arg14[%swap3A_177, %swap3A_178], %swap3A_181 {strides = array<i32>} : memref<125x64xf32, #tpu.memory_space<vmem>>, vector<1x16xf32>,
      %broadcast_in_dim3A_182 = arith.constant 0.000000e+00 : f32
      %broadcast_in_dim3A_183 = vector.broadcast %broadcast_in_dim3A_182 : f32 to vector<16xf32>
      %swap3A_184 = arith.index_cast %scan3A_162 : i32 to index
      %swap3A_185 = arith.constant 48 : index
      %swap3A_186 = tpu.vector_load %arg14[%swap3A_184, %swap3A_185] {strides = array<i32>} : memref<125x64xf32, #tpu.memory_space<vmem>>, vector<1x16xf32>,
      %swap3A_187 = vector.shape_cast %swap3A_186 : vector<1x16xf32> to vector<16xf32>
      %swap3A_188 = vector.shape_cast %broadcast_in_dim3A_183 : vector<16xf32> to vector<1x16xf32>
      tpu.vector_store %arg14[%swap3A_184, %swap3A_185], %swap3A_188 {strides = array<i32>} : memref<125x64xf32, #tpu.memory_space<vmem>>, vector<1x16xf32>,
    }
    %scan3A_35 = arith.constant 125 : i32
    %mul3A_36 = arith.constant 625 : i32
    %mul3A_37 = arith.muli %arg1, %mul3A_36 : i32
    %add3A_38 = arith.constant 0 : i32
    %add3A_39 = arith.addi %mul3A_37, %add3A_38 : i32
    %dma_start3A_40 = arith.constant 0 : i32
    %dma_start3A_41 = tpu.memref_slice %arg15[%add3A_39, %dma_start3A_40] : memref<10000x64xf32, #tpu.memory_space<vmem_shared>> -> memref<125x64xf32, #tpu.memory_space<vmem_shared>>
    %dma_start3A_42 = arith.constant 0 : i32
    %dma_start3A_43 = tpu.memref_slice %arg15[%add3A_39, %dma_start3A_42] : memref<10000x64xf32, #tpu.memory_space<vmem_shared>> -> memref<125x64xf32, #tpu.memory_space<vmem_shared>>
    tpu.enqueue_dma source(%arg14 : memref<125x64xf32, #tpu.memory_space<vmem>>) target(%dma_start3A_43 : memref<125x64xf32, #tpu.memory_space<vmem_shared>>) target_semaphore(%arg25 : memref<!tpu.dma_semaphore, #tpu.memory_space<semaphore_mem>>)
    %add3A_44 = arith.constant 125 : i32
    %add3A_45 = arith.addi %mul3A_37, %add3A_44 : i32
    %dma_start3A_46 = arith.constant 0 : i32
    %dma_start3A_47 = tpu.memref_slice %arg15[%add3A_45, %dma_start3A_46] : memref<10000x64xf32, #tpu.memory_space<vmem_shared>> -> memref<125x64xf32, #tpu.memory_space<vmem_shared>>
    %dma_start3A_48 = arith.constant 0 : i32
    %dma_start3A_49 = tpu.memref_slice %arg15[%add3A_45, %dma_start3A_48] : memref<10000x64xf32, #tpu.memory_space<vmem_shared>> -> memref<125x64xf32, #tpu.memory_space<vmem_shared>>
    tpu.enqueue_dma source(%arg14 : memref<125x64xf32, #tpu.memory_space<vmem>>) target(%dma_start3A_49 : memref<125x64xf32, #tpu.memory_space<vmem_shared>>) target_semaphore(%arg26 : memref<!tpu.dma_semaphore, #tpu.memory_space<semaphore_mem>>)
    %add3A_50 = arith.constant 250 : i32
    %add3A_51 = arith.addi %mul3A_37, %add3A_50 : i32
    %dma_start3A_52 = arith.constant 0 : i32
    %dma_start3A_53 = tpu.memref_slice %arg15[%add3A_51, %dma_start3A_52] : memref<10000x64xf32, #tpu.memory_space<vmem_shared>> -> memref<125x64xf32, #tpu.memory_space<vmem_shared>>
    %dma_start3A_54 = arith.constant 0 : i32
    %dma_start3A_55 = tpu.memref_slice %arg15[%add3A_51, %dma_start3A_54] : memref<10000x64xf32, #tpu.memory_space<vmem_shared>> -> memref<125x64xf32, #tpu.memory_space<vmem_shared>>
    tpu.enqueue_dma source(%arg14 : memref<125x64xf32, #tpu.memory_space<vmem>>) target(%dma_start3A_55 : memref<125x64xf32, #tpu.memory_space<vmem_shared>>) target_semaphore(%arg27 : memref<!tpu.dma_semaphore, #tpu.memory_space<semaphore_mem>>)
    %add3A_56 = arith.constant 375 : i32
    %add3A_57 = arith.addi %mul3A_37, %add3A_56 : i32
    %dma_start3A_58 = arith.constant 0 : i32
    %dma_start3A_59 = tpu.memref_slice %arg15[%add3A_57, %dma_start3A_58] : memref<10000x64xf32, #tpu.memory_space<vmem_shared>> -> memref<125x64xf32, #tpu.memory_space<vmem_shared>>
    %dma_start3A_60 = arith.constant 0 : i32
    %dma_start3A_61 = tpu.memref_slice %arg15[%add3A_57, %dma_start3A_60] : memref<10000x64xf32, #tpu.memory_space<vmem_shared>> -> memref<125x64xf32, #tpu.memory_space<vmem_shared>>
    tpu.enqueue_dma source(%arg14 : memref<125x64xf32, #tpu.memory_space<vmem>>) target(%dma_start3A_61 : memref<125x64xf32, #tpu.memory_space<vmem_shared>>) target_semaphore(%arg28 : memref<!tpu.dma_semaphore, #tpu.memory_space<semaphore_mem>>)
    %add3A_62 = arith.constant 500 : i32
    %add3A_63 = arith.addi %mul3A_37, %add3A_62 : i32
    %dma_start3A_64 = arith.constant 0 : i32
    %dma_start3A_65 = tpu.memref_slice %arg15[%add3A_63, %dma_start3A_64] : memref<10000x64xf32, #tpu.memory_space<vmem_shared>> -> memref<125x64xf32, #tpu.memory_space<vmem_shared>>
    %dma_start3A_66 = arith.constant 0 : i32
    %dma_start3A_67 = tpu.memref_slice %arg15[%add3A_63, %dma_start3A_66] : memref<10000x64xf32, #tpu.memory_space<vmem_shared>> -> memref<125x64xf32, #tpu.memory_space<vmem_shared>>
    tpu.enqueue_dma source(%arg14 : memref<125x64xf32, #tpu.memory_space<vmem>>) target(%dma_start3A_67 : memref<125x64xf32, #tpu.memory_space<vmem_shared>>) target_semaphore(%arg29 : memref<!tpu.dma_semaphore, #tpu.memory_space<semaphore_mem>>)
    %add3A_68 = arith.constant 0 : i32
    %add3A_69 = arith.addi %mul3A_37, %add3A_68 : i32
    %dma_wait3A = arith.constant 0 : i32
    %dma_wait3A_70 = tpu.memref_slice %arg15[%add3A_69, %dma_wait3A] : memref<10000x64xf32, #tpu.memory_space<vmem_shared>> -> memref<125x64xf32, #tpu.memory_space<vmem_shared>>
    %dma_wait3A_71 = arith.constant 0 : i32
    %dma_wait3A_72 = tpu.memref_slice %arg15[%add3A_69, %dma_wait3A_71] : memref<10000x64xf32, #tpu.memory_space<vmem_shared>> -> memref<125x64xf32, #tpu.memory_space<vmem_shared>>
    tpu.wait_dma2 semaphore(%arg25 : memref<!tpu.dma_semaphore, #tpu.memory_space<semaphore_mem>>) src(%arg14 : memref<125x64xf32, #tpu.memory_space<vmem>>) dst(%dma_wait3A_72 : memref<125x64xf32, #tpu.memory_space<vmem_shared>>)
    %add3A_73 = arith.constant 125 : i32
    %add3A_74 = arith.addi %mul3A_37, %add3A_73 : i32
    %dma_wait3A_75 = arith.constant 0 : i32
    %dma_wait3A_76 = tpu.memref_slice %arg15[%add3A_74, %dma_wait3A_75] : memref<10000x64xf32, #tpu.memory_space<vmem_shared>> -> memref<125x64xf32, #tpu.memory_space<vmem_shared>>
    %dma_wait3A_77 = arith.constant 0 : i32
    %dma_wait3A_78 = tpu.memref_slice %arg15[%add3A_74, %dma_wait3A_77] : memref<10000x64xf32, #tpu.memory_space<vmem_shared>> -> memref<125x64xf32, #tpu.memory_space<vmem_shared>>
    tpu.wait_dma2 semaphore(%arg26 : memref<!tpu.dma_semaphore, #tpu.memory_space<semaphore_mem>>) src(%arg14 : memref<125x64xf32, #tpu.memory_space<vmem>>) dst(%dma_wait3A_78 : memref<125x64xf32, #tpu.memory_space<vmem_shared>>)
    %add3A_79 = arith.constant 250 : i32
    %add3A_80 = arith.addi %mul3A_37, %add3A_79 : i32
    %dma_wait3A_81 = arith.constant 0 : i32
    %dma_wait3A_82 = tpu.memref_slice %arg15[%add3A_80, %dma_wait3A_81] : memref<10000x64xf32, #tpu.memory_space<vmem_shared>> -> memref<125x64xf32, #tpu.memory_space<vmem_shared>>
    %dma_wait3A_83 = arith.constant 0 : i32
    %dma_wait3A_84 = tpu.memref_slice %arg15[%add3A_80, %dma_wait3A_83] : memref<10000x64xf32, #tpu.memory_space<vmem_shared>> -> memref<125x64xf32, #tpu.memory_space<vmem_shared>>
    tpu.wait_dma2 semaphore(%arg27 : memref<!tpu.dma_semaphore, #tpu.memory_space<semaphore_mem>>) src(%arg14 : memref<125x64xf32, #tpu.memory_space<vmem>>) dst(%dma_wait3A_84 : memref<125x64xf32, #tpu.memory_space<vmem_shared>>)
    %add3A_85 = arith.constant 375 : i32
    %add3A_86 = arith.addi %mul3A_37, %add3A_85 : i32
    %dma_wait3A_87 = arith.constant 0 : i32
    %dma_wait3A_88 = tpu.memref_slice %arg15[%add3A_86, %dma_wait3A_87] : memref<10000x64xf32, #tpu.memory_space<vmem_shared>> -> memref<125x64xf32, #tpu.memory_space<vmem_shared>>
    %dma_wait3A_89 = arith.constant 0 : i32
    %dma_wait3A_90 = tpu.memref_slice %arg15[%add3A_86, %dma_wait3A_89] : memref<10000x64xf32, #tpu.memory_space<vmem_shared>> -> memref<125x64xf32, #tpu.memory_space<vmem_shared>>
    tpu.wait_dma2 semaphore(%arg28 : memref<!tpu.dma_semaphore, #tpu.memory_space<semaphore_mem>>) src(%arg14 : memref<125x64xf32, #tpu.memory_space<vmem>>) dst(%dma_wait3A_90 : memref<125x64xf32, #tpu.memory_space<vmem_shared>>)
    %add3A_91 = arith.constant 500 : i32
    %add3A_92 = arith.addi %mul3A_37, %add3A_91 : i32
    %dma_wait3A_93 = arith.constant 0 : i32
    %dma_wait3A_94 = tpu.memref_slice %arg15[%add3A_92, %dma_wait3A_93] : memref<10000x64xf32, #tpu.memory_space<vmem_shared>> -> memref<125x64xf32, #tpu.memory_space<vmem_shared>>
    %dma_wait3A_95 = arith.constant 0 : i32
    %dma_wait3A_96 = tpu.memref_slice %arg15[%add3A_92, %dma_wait3A_95] : memref<10000x64xf32, #tpu.memory_space<vmem_shared>> -> memref<125x64xf32, #tpu.memory_space<vmem_shared>>
    tpu.wait_dma2 semaphore(%arg29 : memref<!tpu.dma_semaphore, #tpu.memory_space<semaphore_mem>>) src(%arg14 : memref<125x64xf32, #tpu.memory_space<vmem>>) dst(%dma_wait3A_96 : memref<125x64xf32, #tpu.memory_space<vmem_shared>>)
    %mul3A_97 = arith.constant 250 : i32
    %mul3A_98 = arith.muli %arg1, %mul3A_97 : i32
    %dma_wait3A_99 = arith.constant 0 : i32
    %dma_wait3A_100 = tpu.memref_slice %arg3[%mul3A_98, %dma_wait3A_99] : memref<4000x80xi32, #tpu.memory_space<hbm>> -> memref<250x80xi32, #tpu.memory_space<hbm>>
    %dma_wait3A_101 = arith.constant 0 : i32
    %dma_wait3A_102 = tpu.memref_slice %arg3[%mul3A_98, %dma_wait3A_101] : memref<4000x80xi32, #tpu.memory_space<hbm>> -> memref<250x80xi32, #tpu.memory_space<hbm>>
    tpu.wait_dma2 semaphore(%arg16 : memref<!tpu.dma_semaphore, #tpu.memory_space<semaphore_mem>>) src(%dma_wait3A_102 : memref<250x80xi32, #tpu.memory_space<hbm>>) dst(%arg13 : memref<250x80xi32, #tpu.memory_space<vmem>>)
    %barrier3A = arith.constant 0 : index
    tpu.barrier barrier_id(%barrier3A)
    %dma_wait3A_103 = tpu.memref_slice %arg2[%mul3A_2, %mul3A_0] : memref<320000x128xf32, #tpu.memory_space<hbm>> -> memref<80x64xf32, #tpu.memory_space<hbm>>
    %dma_wait3A_104 = tpu.memref_slice %arg2[%mul3A_2, %mul3A_0] : memref<320000x128xf32, #tpu.memory_space<hbm>> -> memref<80x64xf32, #tpu.memory_space<hbm>>
    tpu.wait_dma2 semaphore(%arg17 : memref<!tpu.dma_semaphore, #tpu.memory_space<semaphore_mem>>) src(%dma_wait3A_104 : memref<80x64xf32, #tpu.memory_space<hbm>>) dst(%arg5 : memref<80x64xf32, #tpu.memory_space<vmem>>)
    %dma_start3A_105 = arith.constant 0 : i32
    %dma_start3A_106 = arith.constant 0 : i32
    %dma_start3A_107 = tpu.memref_slice %arg13[%dma_start3A_105, %dma_start3A_106] : memref<250x80xi32, #tpu.memory_space<vmem>> -> memref<1x80xi32, #tpu.memory_space<vmem>>
    %dma_start3A_108 = tpu.memref_squeeze %dma_start3A_107 : memref<1x80xi32, #tpu.memory_space<vmem>> -> memref<80xi32, #tpu.memory_space<vmem>>
    %dma_start3A_109 = arith.constant 0 : i32
    %dma_start3A_110 = arith.constant 0 : i32
    %dma_start3A_111 = tpu.memref_slice %arg15[%dma_start3A_109, %dma_start3A_110] : memref<10000x64xf32, #tpu.memory_space<vmem_shared>> -> memref<10000x64xf32, #tpu.memory_space<vmem_shared>>
    tpu.enqueue_indirect_dma source(%arg5 : memref<80x64xf32, #tpu.memory_space<vmem>>) target(%dma_start3A_111 : memref<10000x64xf32, #tpu.memory_space<vmem_shared>>) offsets(%dma_start3A_108 : memref<80xi32, #tpu.memory_space<vmem>>) semaphore(%arg25 : memref<!tpu.dma_semaphore, #tpu.memory_space<semaphore_mem>>) {add = true}
    %add3A_112 = arith.constant 480 : i32
    %add3A_113 = arith.addi %mul3A_2, %add3A_112 : i32
    %dma_start3A_114 = tpu.memref_slice %arg2[%add3A_113, %mul3A_0] : memref<320000x128xf32, #tpu.memory_space<hbm>> -> memref<80x64xf32, #tpu.memory_space<hbm>>
    %dma_start3A_115 = tpu.memref_slice %arg2[%add3A_113, %mul3A_0] : memref<320000x128xf32, #tpu.memory_space<hbm>> -> memref<80x64xf32, #tpu.memory_space<hbm>>
    tpu.enqueue_dma source(%dma_start3A_115 : memref<80x64xf32, #tpu.memory_space<hbm>>) target(%arg11 : memref<80x64xf32, #tpu.memory_space<vmem>>) target_semaphore(%arg23 : memref<!tpu.dma_semaphore, #tpu.memory_space<semaphore_mem>>)
    %dma_wait3A_116 = tpu.memref_slice %arg2[%mul3A_2, %mul3A_0] : memref<320000x128xf32, #tpu.memory_space<hbm>> -> memref<80x64xf32, #tpu.memory_space<hbm>>
    %dma_wait3A_117 = tpu.memref_slice %arg2[%mul3A_2, %mul3A_0] : memref<320000x128xf32, #tpu.memory_space<hbm>> -> memref<80x64xf32, #tpu.memory_space<hbm>>
    tpu.wait_dma2 semaphore(%arg18 : memref<!tpu.dma_semaphore, #tpu.memory_space<semaphore_mem>>) src(%dma_wait3A_117 : memref<80x64xf32, #tpu.memory_space<hbm>>) dst(%arg6 : memref<80x64xf32, #tpu.memory_space<vmem>>)
    %dma_start3A_118 = arith.constant 1 : i32
    %dma_start3A_119 = arith.constant 0 : i32
    %dma_start3A_120 = tpu.memref_slice %arg13[%dma_start3A_118, %dma_start3A_119] : memref<250x80xi32, #tpu.memory_space<vmem>> -> memref<1x80xi32, #tpu.memory_space<vmem>>
    %dma_start3A_121 = tpu.memref_squeeze %dma_start3A_120 : memref<1x80xi32, #tpu.memory_space<vmem>> -> memref<80xi32, #tpu.memory_space<vmem>>
    %dma_start3A_122 = arith.constant 0 : i32
    %dma_start3A_123 = arith.constant 0 : i32
    %dma_start3A_124 = tpu.memref_slice %arg15[%dma_start3A_122, %dma_start3A_123] : memref<10000x64xf32, #tpu.memory_space<vmem_shared>> -> memref<10000x64xf32, #tpu.memory_space<vmem_shared>>
    tpu.enqueue_indirect_dma source(%arg6 : memref<80x64xf32, #tpu.memory_space<vmem>>) target(%dma_start3A_124 : memref<10000x64xf32, #tpu.memory_space<vmem_shared>>) offsets(%dma_start3A_121 : memref<80xi32, #tpu.memory_space<vmem>>) semaphore(%arg26 : memref<!tpu.dma_semaphore, #tpu.memory_space<semaphore_mem>>) {add = true}
    %add3A_125 = arith.constant 560 : i32
    %add3A_126 = arith.addi %mul3A_2, %add3A_125 : i32
    %dma_start3A_127 = tpu.memref_slice %arg2[%add3A_126, %mul3A_0] : memref<320000x128xf32, #tpu.memory_space<hbm>> -> memref<80x64xf32, #tpu.memory_space<hbm>>
    %dma_start3A_128 = tpu.memref_slice %arg2[%add3A_126, %mul3A_0] : memref<320000x128xf32, #tpu.memory_space<hbm>> -> memref<80x64xf32, #tpu.memory_space<hbm>>
    tpu.enqueue_dma source(%dma_start3A_128 : memref<80x64xf32, #tpu.memory_space<hbm>>) target(%arg12 : memref<80x64xf32, #tpu.memory_space<vmem>>) target_semaphore(%arg24 : memref<!tpu.dma_semaphore, #tpu.memory_space<semaphore_mem>>)
    %scan3A_129 = arith.constant 0 : i32
    %scan3A_130 = arith.constant 0 : i32
    %scan3A_131 = arith.constant 31 : i32
    %scan3A_132 = arith.addi %scan3A_130, %scan3A_131 : i32
    %scan3A_133 = arith.constant 1 : i32
    scf.for %scan3A_162 = %scan3A_130 to %scan3A_132 step %scan3A_133  : i32 {
      %mul3A_163 = arith.constant 8 : i32
      %mul3A_164 = arith.muli %mul3A_163, %scan3A_162 : i32
      %add3A_165 = arith.constant 2 : i32
      %add3A_166 = arith.addi %add3A_165, %mul3A_164 : i32
      %add3A_167 = arith.constant 0 : i32
      %add3A_168 = arith.addi %add3A_166, %add3A_167 : i32
      %dma_wait3A_169 = tpu.memref_slice %arg2[%mul3A_2, %mul3A_0] : memref<320000x128xf32, #tpu.memory_space<hbm>> -> memref<80x64xf32, #tpu.memory_space<hbm>>
      %dma_wait3A_170 = tpu.memref_slice %arg2[%mul3A_2, %mul3A_0] : memref<320000x128xf32, #tpu.memory_space<hbm>> -> memref<80x64xf32, #tpu.memory_space<hbm>>
      tpu.wait_dma2 semaphore(%arg19 : memref<!tpu.dma_semaphore, #tpu.memory_space<semaphore_mem>>) src(%dma_wait3A_170 : memref<80x64xf32, #tpu.memory_space<hbm>>) dst(%arg7 : memref<80x64xf32, #tpu.memory_space<vmem>>)
      %dma_start3A_171 = arith.constant 0 : i32
      %dma_start3A_172 = tpu.memref_slice %arg13[%add3A_168, %dma_start3A_171] : memref<250x80xi32, #tpu.memory_space<vmem>> -> memref<1x80xi32, #tpu.memory_space<vmem>>
      %dma_start3A_173 = tpu.memref_squeeze %dma_start3A_172 : memref<1x80xi32, #tpu.memory_space<vmem>> -> memref<80xi32, #tpu.memory_space<vmem>>
      %dma_start3A_174 = arith.constant 0 : i32
      %dma_start3A_175 = arith.constant 0 : i32
      %dma_start3A_176 = tpu.memref_slice %arg15[%dma_start3A_174, %dma_start3A_175] : memref<10000x64xf32, #tpu.memory_space<vmem_shared>> -> memref<10000x64xf32, #tpu.memory_space<vmem_shared>>
      tpu.enqueue_indirect_dma source(%arg7 : memref<80x64xf32, #tpu.memory_space<vmem>>) target(%dma_start3A_176 : memref<10000x64xf32, #tpu.memory_space<vmem_shared>>) offsets(%dma_start3A_173 : memref<80xi32, #tpu.memory_space<vmem>>) semaphore(%arg27 : memref<!tpu.dma_semaphore, #tpu.memory_space<semaphore_mem>>) {add = true}
      %dma_wait3A_177 = arith.constant 0 : i32
      %dma_wait3A_178 = arith.constant 0 : i32
      %dma_wait3A_179 = tpu.memref_slice %arg13[%dma_wait3A_177, %dma_wait3A_178] : memref<250x80xi32, #tpu.memory_space<vmem>> -> memref<1x80xi32, #tpu.memory_space<vmem>>
      %dma_wait3A_180 = tpu.memref_squeeze %dma_wait3A_179 : memref<1x80xi32, #tpu.memory_space<vmem>> -> memref<80xi32, #tpu.memory_space<vmem>>
      %dma_wait3A_181 = arith.constant 0 : i32
      %dma_wait3A_182 = arith.constant 0 : i32
      %dma_wait3A_183 = tpu.memref_slice %arg15[%dma_wait3A_181, %dma_wait3A_182] : memref<10000x64xf32, #tpu.memory_space<vmem_shared>> -> memref<10000x64xf32, #tpu.memory_space<vmem_shared>>
      tpu.wait_indirect_dma semaphore(%arg25 : memref<!tpu.dma_semaphore, #tpu.memory_space<semaphore_mem>>) src(%arg5 : memref<80x64xf32, #tpu.memory_space<vmem>>) dst(%dma_wait3A_183 : memref<10000x64xf32, #tpu.memory_space<vmem_shared>>)
      %add3A_184 = arith.constant 6 : i32
      %add3A_185 = arith.addi %add3A_168, %add3A_184 : i32
      %min3A = arith.constant 249 : i32
      %min3A_186 = arith.minsi %add3A_185, %min3A : i32
      %mul3A_187 = arith.constant 80 : i32
      %mul3A_188 = arith.muli %min3A_186, %mul3A_187 : i32
      %add3A_189 = arith.addi %mul3A_2, %mul3A_188 : i32
      %dma_start3A_190 = tpu.memref_slice %arg2[%add3A_189, %mul3A_0] : memref<320000x128xf32, #tpu.memory_space<hbm>> -> memref<80x64xf32, #tpu.memory_space<hbm>>
      %dma_start3A_191 = tpu.memref_slice %arg2[%add3A_189, %mul3A_0] : memref<320000x128xf32, #tpu.memory_space<hbm>> -> memref<80x64xf32, #tpu.memory_space<hbm>>
      tpu.enqueue_dma source(%dma_start3A_191 : memref<80x64xf32, #tpu.memory_space<hbm>>) target(%arg5 : memref<80x64xf32, #tpu.memory_space<vmem>>) target_semaphore(%arg17 : memref<!tpu.dma_semaphore, #tpu.memory_space<semaphore_mem>>)
      %mul3A_192 = arith.constant 8 : i32
      %mul3A_193 = arith.muli %mul3A_192, %scan3A_162 : i32
      %add3A_194 = arith.constant 2 : i32
      %add3A_195 = arith.addi %add3A_194, %mul3A_193 : i32
      %add3A_196 = arith.constant 1 : i32
      %add3A_197 = arith.addi %add3A_195, %add3A_196 : i32
      %dma_wait3A_198 = tpu.memref_slice %arg2[%mul3A_2, %mul3A_0] : memref<320000x128xf32, #tpu.memory_space<hbm>> -> memref<80x64xf32, #tpu.memory_space<hbm>>
      %dma_wait3A_199 = tpu.memref_slice %arg2[%mul3A_2, %mul3A_0] : memref<320000x128xf32, #tpu.memory_space<hbm>> -> memref<80x64xf32, #tpu.memory_space<hbm>>
      tpu.wait_dma2 semaphore(%arg20 : memref<!tpu.dma_semaphore, #tpu.memory_space<semaphore_mem>>) src(%dma_wait3A_199 : memref<80x64xf32, #tpu.memory_space<hbm>>) dst(%arg8 : memref<80x64xf32, #tpu.memory_space<vmem>>)
      %dma_start3A_200 = arith.constant 0 : i32
      %dma_start3A_201 = tpu.memref_slice %arg13[%add3A_197, %dma_start3A_200] : memref<250x80xi32, #tpu.memory_space<vmem>> -> memref<1x80xi32, #tpu.memory_space<vmem>>
      %dma_start3A_202 = tpu.memref_squeeze %dma_start3A_201 : memref<1x80xi32, #tpu.memory_space<vmem>> -> memref<80xi32, #tpu.memory_space<vmem>>
      %dma_start3A_203 = arith.constant 0 : i32
      %dma_start3A_204 = arith.constant 0 : i32
      %dma_start3A_205 = tpu.memref_slice %arg15[%dma_start3A_203, %dma_start3A_204] : memref<10000x64xf32, #tpu.memory_space<vmem_shared>> -> memref<10000x64xf32, #tpu.memory_space<vmem_shared>>
      tpu.enqueue_indirect_dma source(%arg8 : memref<80x64xf32, #tpu.memory_space<vmem>>) target(%dma_start3A_205 : memref<10000x64xf32, #tpu.memory_space<vmem_shared>>) offsets(%dma_start3A_202 : memref<80xi32, #tpu.memory_space<vmem>>) semaphore(%arg28 : memref<!tpu.dma_semaphore, #tpu.memory_space<semaphore_mem>>) {add = true}
      %dma_wait3A_206 = arith.constant 0 : i32
      %dma_wait3A_207 = arith.constant 0 : i32
      %dma_wait3A_208 = tpu.memref_slice %arg13[%dma_wait3A_206, %dma_wait3A_207] : memref<250x80xi32, #tpu.memory_space<vmem>> -> memref<1x80xi32, #tpu.memory_space<vmem>>
      %dma_wait3A_209 = tpu.memref_squeeze %dma_wait3A_208 : memref<1x80xi32, #tpu.memory_space<vmem>> -> memref<80xi32, #tpu.memory_space<vmem>>
      %dma_wait3A_210 = arith.constant 0 : i32
      %dma_wait3A_211 = arith.constant 0 : i32
      %dma_wait3A_212 = tpu.memref_slice %arg15[%dma_wait3A_210, %dma_wait3A_211] : memref<10000x64xf32, #tpu.memory_space<vmem_shared>> -> memref<10000x64xf32, #tpu.memory_space<vmem_shared>>
      tpu.wait_indirect_dma semaphore(%arg26 : memref<!tpu.dma_semaphore, #tpu.memory_space<semaphore_mem>>) src(%arg6 : memref<80x64xf32, #tpu.memory_space<vmem>>) dst(%dma_wait3A_212 : memref<10000x64xf32, #tpu.memory_space<vmem_shared>>)
      %add3A_213 = arith.constant 6 : i32
      %add3A_214 = arith.addi %add3A_197, %add3A_213 : i32
      %min3A_215 = arith.constant 249 : i32
      %min3A_216 = arith.minsi %add3A_214, %min3A_215 : i32
      %mul3A_217 = arith.constant 80 : i32
      %mul3A_218 = arith.muli %min3A_216, %mul3A_217 : i32
      %add3A_219 = arith.addi %mul3A_2, %mul3A_218 : i32
      %dma_start3A_220 = tpu.memref_slice %arg2[%add3A_219, %mul3A_0] : memref<320000x128xf32, #tpu.memory_space<hbm>> -> memref<80x64xf32, #tpu.memory_space<hbm>>
      %dma_start3A_221 = tpu.memref_slice %arg2[%add3A_219, %mul3A_0] : memref<320000x128xf32, #tpu.memory_space<hbm>> -> memref<80x64xf32, #tpu.memory_space<hbm>>
      tpu.enqueue_dma source(%dma_start3A_221 : memref<80x64xf32, #tpu.memory_space<hbm>>) target(%arg6 : memref<80x64xf32, #tpu.memory_space<vmem>>) target_semaphore(%arg18 : memref<!tpu.dma_semaphore, #tpu.memory_space<semaphore_mem>>)
      %mul3A_222 = arith.constant 8 : i32
      %mul3A_223 = arith.muli %mul3A_222, %scan3A_162 : i32
      %add3A_224 = arith.constant 2 : i32
      %add3A_225 = arith.addi %add3A_224, %mul3A_223 : i32
      %add3A_226 = arith.constant 2 : i32
      %add3A_227 = arith.addi %add3A_225, %add3A_226 : i32
      %dma_wait3A_228 = tpu.memref_slice %arg2[%mul3A_2, %mul3A_0] : memref<320000x128xf32, #tpu.memory_space<hbm>> -> memref<80x64xf32, #tpu.memory_space<hbm>>
      %dma_wait3A_229 = tpu.memref_slice %arg2[%mul3A_2, %mul3A_0] : memref<320000x128xf32, #tpu.memory_space<hbm>> -> memref<80x64xf32, #tpu.memory_space<hbm>>
      tpu.wait_dma2 semaphore(%arg21 : memref<!tpu.dma_semaphore, #tpu.memory_space<semaphore_mem>>) src(%dma_wait3A_229 : memref<80x64xf32, #tpu.memory_space<hbm>>) dst(%arg9 : memref<80x64xf32, #tpu.memory_space<vmem>>)
      %dma_start3A_230 = arith.constant 0 : i32
      %dma_start3A_231 = tpu.memref_slice %arg13[%add3A_227, %dma_start3A_230] : memref<250x80xi32, #tpu.memory_space<vmem>> -> memref<1x80xi32, #tpu.memory_space<vmem>>
      %dma_start3A_232 = tpu.memref_squeeze %dma_start3A_231 : memref<1x80xi32, #tpu.memory_space<vmem>> -> memref<80xi32, #tpu.memory_space<vmem>>
      %dma_start3A_233 = arith.constant 0 : i32
      %dma_start3A_234 = arith.constant 0 : i32
      %dma_start3A_235 = tpu.memref_slice %arg15[%dma_start3A_233, %dma_start3A_234] : memref<10000x64xf32, #tpu.memory_space<vmem_shared>> -> memref<10000x64xf32, #tpu.memory_space<vmem_shared>>
      tpu.enqueue_indirect_dma source(%arg9 : memref<80x64xf32, #tpu.memory_space<vmem>>) target(%dma_start3A_235 : memref<10000x64xf32, #tpu.memory_space<vmem_shared>>) offsets(%dma_start3A_232 : memref<80xi32, #tpu.memory_space<vmem>>) semaphore(%arg29 : memref<!tpu.dma_semaphore, #tpu.memory_space<semaphore_mem>>) {add = true}
      %dma_wait3A_236 = arith.constant 0 : i32
      %dma_wait3A_237 = arith.constant 0 : i32
      %dma_wait3A_238 = tpu.memref_slice %arg13[%dma_wait3A_236, %dma_wait3A_237] : memref<250x80xi32, #tpu.memory_space<vmem>> -> memref<1x80xi32, #tpu.memory_space<vmem>>
      %dma_wait3A_239 = tpu.memref_squeeze %dma_wait3A_238 : memref<1x80xi32, #tpu.memory_space<vmem>> -> memref<80xi32, #tpu.memory_space<vmem>>
      %dma_wait3A_240 = arith.constant 0 : i32
      %dma_wait3A_241 = arith.constant 0 : i32
      %dma_wait3A_242 = tpu.memref_slice %arg15[%dma_wait3A_240, %dma_wait3A_241] : memref<10000x64xf32, #tpu.memory_space<vmem_shared>> -> memref<10000x64xf32, #tpu.memory_space<vmem_shared>>
      tpu.wait_indirect_dma semaphore(%arg27 : memref<!tpu.dma_semaphore, #tpu.memory_space<semaphore_mem>>) src(%arg7 : memref<80x64xf32, #tpu.memory_space<vmem>>) dst(%dma_wait3A_242 : memref<10000x64xf32, #tpu.memory_space<vmem_shared>>)
      %add3A_243 = arith.constant 6 : i32
      %add3A_244 = arith.addi %add3A_227, %add3A_243 : i32
      %min3A_245 = arith.constant 249 : i32
      %min3A_246 = arith.minsi %add3A_244, %min3A_245 : i32
      %mul3A_247 = arith.constant 80 : i32
      %mul3A_248 = arith.muli %min3A_246, %mul3A_247 : i32
      %add3A_249 = arith.addi %mul3A_2, %mul3A_248 : i32
      %dma_start3A_250 = tpu.memref_slice %arg2[%add3A_249, %mul3A_0] : memref<320000x128xf32, #tpu.memory_space<hbm>> -> memref<80x64xf32, #tpu.memory_space<hbm>>
      %dma_start3A_251 = tpu.memref_slice %arg2[%add3A_249, %mul3A_0] : memref<320000x128xf32, #tpu.memory_space<hbm>> -> memref<80x64xf32, #tpu.memory_space<hbm>>
      tpu.enqueue_dma source(%dma_start3A_251 : memref<80x64xf32, #tpu.memory_space<hbm>>) target(%arg7 : memref<80x64xf32, #tpu.memory_space<vmem>>) target_semaphore(%arg19 : memref<!tpu.dma_semaphore, #tpu.memory_space<semaphore_mem>>)
      %mul3A_252 = arith.constant 8 : i32
      %mul3A_253 = arith.muli %mul3A_252, %scan3A_162 : i32
      %add3A_254 = arith.constant 2 : i32
      %add3A_255 = arith.addi %add3A_254, %mul3A_253 : i32
      %add3A_256 = arith.constant 3 : i32
      %add3A_257 = arith.addi %add3A_255, %add3A_256 : i32
      %dma_wait3A_258 = tpu.memref_slice %arg2[%mul3A_2, %mul3A_0] : memref<320000x128xf32, #tpu.memory_space<hbm>> -> memref<80x64xf32, #tpu.memory_space<hbm>>
      %dma_wait3A_259 = tpu.memref_slice %arg2[%mul3A_2, %mul3A_0] : memref<320000x128xf32, #tpu.memory_space<hbm>> -> memref<80x64xf32, #tpu.memory_space<hbm>>
      tpu.wait_dma2 semaphore(%arg22 : memref<!tpu.dma_semaphore, #tpu.memory_space<semaphore_mem>>) src(%dma_wait3A_259 : memref<80x64xf32, #tpu.memory_space<hbm>>) dst(%arg10 : memref<80x64xf32, #tpu.memory_space<vmem>>)
      %dma_start3A_260 = arith.constant 0 : i32
      %dma_start3A_261 = tpu.memref_slice %arg13[%add3A_257, %dma_start3A_260] : memref<250x80xi32, #tpu.memory_space<vmem>> -> memref<1x80xi32, #tpu.memory_space<vmem>>
      %dma_start3A_262 = tpu.memref_squeeze %dma_start3A_261 : memref<1x80xi32, #tpu.memory_space<vmem>> -> memref<80xi32, #tpu.memory_space<vmem>>
      %dma_start3A_263 = arith.constant 0 : i32
      %dma_start3A_264 = arith.constant 0 : i32
      %dma_start3A_265 = tpu.memref_slice %arg15[%dma_start3A_263, %dma_start3A_264] : memref<10000x64xf32, #tpu.memory_space<vmem_shared>> -> memref<10000x64xf32, #tpu.memory_space<vmem_shared>>
      tpu.enqueue_indirect_dma source(%arg10 : memref<80x64xf32, #tpu.memory_space<vmem>>) target(%dma_start3A_265 : memref<10000x64xf32, #tpu.memory_space<vmem_shared>>) offsets(%dma_start3A_262 : memref<80xi32, #tpu.memory_space<vmem>>) semaphore(%arg30 : memref<!tpu.dma_semaphore, #tpu.memory_space<semaphore_mem>>) {add = true}
      %dma_wait3A_266 = arith.constant 0 : i32
      %dma_wait3A_267 = arith.constant 0 : i32
      %dma_wait3A_268 = tpu.memref_slice %arg13[%dma_wait3A_266, %dma_wait3A_267] : memref<250x80xi32, #tpu.memory_space<vmem>> -> memref<1x80xi32, #tpu.memory_space<vmem>>
      %dma_wait3A_269 = tpu.memref_squeeze %dma_wait3A_268 : memref<1x80xi32, #tpu.memory_space<vmem>> -> memref<80xi32, #tpu.memory_space<vmem>>
      %dma_wait3A_270 = arith.constant 0 : i32
      %dma_wait3A_271 = arith.constant 0 : i32
      %dma_wait3A_272 = tpu.memref_slice %arg15[%dma_wait3A_270, %dma_wait3A_271] : memref<10000x64xf32, #tpu.memory_space<vmem_shared>> -> memref<10000x64xf32, #tpu.memory_space<vmem_shared>>
      tpu.wait_indirect_dma semaphore(%arg28 : memref<!tpu.dma_semaphore, #tpu.memory_space<semaphore_mem>>) src(%arg8 : memref<80x64xf32, #tpu.memory_space<vmem>>) dst(%dma_wait3A_272 : memref<10000x64xf32, #tpu.memory_space<vmem_shared>>)
      %add3A_273 = arith.constant 6 : i32
      %add3A_274 = arith.addi %add3A_257, %add3A_273 : i32
      %min3A_275 = arith.constant 249 : i32
      %min3A_276 = arith.minsi %add3A_274, %min3A_275 : i32
      %mul3A_277 = arith.constant 80 : i32
      %mul3A_278 = arith.muli %min3A_276, %mul3A_277 : i32
      %add3A_279 = arith.addi %mul3A_2, %mul3A_278 : i32
      %dma_start3A_280 = tpu.memref_slice %arg2[%add3A_279, %mul3A_0] : memref<320000x128xf32, #tpu.memory_space<hbm>> -> memref<80x64xf32, #tpu.memory_space<hbm>>
      %dma_start3A_281 = tpu.memref_slice %arg2[%add3A_279, %mul3A_0] : memref<320000x128xf32, #tpu.memory_space<hbm>> -> memref<80x64xf32, #tpu.memory_space<hbm>>
      tpu.enqueue_dma source(%dma_start3A_281 : memref<80x64xf32, #tpu.memory_space<hbm>>) target(%arg8 : memref<80x64xf32, #tpu.memory_space<vmem>>) target_semaphore(%arg20 : memref<!tpu.dma_semaphore, #tpu.memory_space<semaphore_mem>>)
      %mul3A_282 = arith.constant 8 : i32
      %mul3A_283 = arith.muli %mul3A_282, %scan3A_162 : i32
      %add3A_284 = arith.constant 2 : i32
      %add3A_285 = arith.addi %add3A_284, %mul3A_283 : i32
      %add3A_286 = arith.constant 4 : i32
      %add3A_287 = arith.addi %add3A_285, %add3A_286 : i32
      %dma_wait3A_288 = tpu.memref_slice %arg2[%mul3A_2, %mul3A_0] : memref<320000x128xf32, #tpu.memory_space<hbm>> -> memref<80x64xf32, #tpu.memory_space<hbm>>
      %dma_wait3A_289 = tpu.memref_slice %arg2[%mul3A_2, %mul3A_0] : memref<320000x128xf32, #tpu.memory_space<hbm>> -> memref<80x64xf32, #tpu.memory_space<hbm>>
      tpu.wait_dma2 semaphore(%arg23 : memref<!tpu.dma_semaphore, #tpu.memory_space<semaphore_mem>>) src(%dma_wait3A_289 : memref<80x64xf32, #tpu.memory_space<hbm>>) dst(%arg11 : memref<80x64xf32, #tpu.memory_space<vmem>>)
      %dma_start3A_290 = arith.constant 0 : i32
      %dma_start3A_291 = tpu.memref_slice %arg13[%add3A_287, %dma_start3A_290] : memref<250x80xi32, #tpu.memory_space<vmem>> -> memref<1x80xi32, #tpu.memory_space<vmem>>
      %dma_start3A_292 = tpu.memref_squeeze %dma_start3A_291 : memref<1x80xi32, #tpu.memory_space<vmem>> -> memref<80xi32, #tpu.memory_space<vmem>>
      %dma_start3A_293 = arith.constant 0 : i32
      %dma_start3A_294 = arith.constant 0 : i32
      %dma_start3A_295 = tpu.memref_slice %arg15[%dma_start3A_293, %dma_start3A_294] : memref<10000x64xf32, #tpu.memory_space<vmem_shared>> -> memref<10000x64xf32, #tpu.memory_space<vmem_shared>>
      tpu.enqueue_indirect_dma source(%arg11 : memref<80x64xf32, #tpu.memory_space<vmem>>) target(%dma_start3A_295 : memref<10000x64xf32, #tpu.memory_space<vmem_shared>>) offsets(%dma_start3A_292 : memref<80xi32, #tpu.memory_space<vmem>>) semaphore(%arg31 : memref<!tpu.dma_semaphore, #tpu.memory_space<semaphore_mem>>) {add = true}
      %dma_wait3A_296 = arith.constant 0 : i32
      %dma_wait3A_297 = arith.constant 0 : i32
      %dma_wait3A_298 = tpu.memref_slice %arg13[%dma_wait3A_296, %dma_wait3A_297] : memref<250x80xi32, #tpu.memory_space<vmem>> -> memref<1x80xi32, #tpu.memory_space<vmem>>
      %dma_wait3A_299 = tpu.memref_squeeze %dma_wait3A_298 : memref<1x80xi32, #tpu.memory_space<vmem>> -> memref<80xi32, #tpu.memory_space<vmem>>
      %dma_wait3A_300 = arith.constant 0 : i32
      %dma_wait3A_301 = arith.constant 0 : i32
      %dma_wait3A_302 = tpu.memref_slice %arg15[%dma_wait3A_300, %dma_wait3A_301] : memref<10000x64xf32, #tpu.memory_space<vmem_shared>> -> memref<10000x64xf32, #tpu.memory_space<vmem_shared>>
      tpu.wait_indirect_dma semaphore(%arg29 : memref<!tpu.dma_semaphore, #tpu.memory_space<semaphore_mem>>) src(%arg9 : memref<80x64xf32, #tpu.memory_space<vmem>>) dst(%dma_wait3A_302 : memref<10000x64xf32, #tpu.memory_space<vmem_shared>>)
      %add3A_303 = arith.constant 6 : i32
      %add3A_304 = arith.addi %add3A_287, %add3A_303 : i32
      %min3A_305 = arith.constant 249 : i32
      %min3A_306 = arith.minsi %add3A_304, %min3A_305 : i32
      %mul3A_307 = arith.constant 80 : i32
      %mul3A_308 = arith.muli %min3A_306, %mul3A_307 : i32
      %add3A_309 = arith.addi %mul3A_2, %mul3A_308 : i32
      %dma_start3A_310 = tpu.memref_slice %arg2[%add3A_309, %mul3A_0] : memref<320000x128xf32, #tpu.memory_space<hbm>> -> memref<80x64xf32, #tpu.memory_space<hbm>>
      %dma_start3A_311 = tpu.memref_slice %arg2[%add3A_309, %mul3A_0] : memref<320000x128xf32, #tpu.memory_space<hbm>> -> memref<80x64xf32, #tpu.memory_space<hbm>>
      tpu.enqueue_dma source(%dma_start3A_311 : memref<80x64xf32, #tpu.memory_space<hbm>>) target(%arg9 : memref<80x64xf32, #tpu.memory_space<vmem>>) target_semaphore(%arg21 : memref<!tpu.dma_semaphore, #tpu.memory_space<semaphore_mem>>)
      %mul3A_312 = arith.constant 8 : i32
      %mul3A_313 = arith.muli %mul3A_312, %scan3A_162 : i32
      %add3A_314 = arith.constant 2 : i32
      %add3A_315 = arith.addi %add3A_314, %mul3A_313 : i32
      %add3A_316 = arith.constant 5 : i32
      %add3A_317 = arith.addi %add3A_315, %add3A_316 : i32
      %dma_wait3A_318 = tpu.memref_slice %arg2[%mul3A_2, %mul3A_0] : memref<320000x128xf32, #tpu.memory_space<hbm>> -> memref<80x64xf32, #tpu.memory_space<hbm>>
      %dma_wait3A_319 = tpu.memref_slice %arg2[%mul3A_2, %mul3A_0] : memref<320000x128xf32, #tpu.memory_space<hbm>> -> memref<80x64xf32, #tpu.memory_space<hbm>>
      tpu.wait_dma2 semaphore(%arg24 : memref<!tpu.dma_semaphore, #tpu.memory_space<semaphore_mem>>) src(%dma_wait3A_319 : memref<80x64xf32, #tpu.memory_space<hbm>>) dst(%arg12 : memref<80x64xf32, #tpu.memory_space<vmem>>)
      %dma_start3A_320 = arith.constant 0 : i32
      %dma_start3A_321 = tpu.memref_slice %arg13[%add3A_317, %dma_start3A_320] : memref<250x80xi32, #tpu.memory_space<vmem>> -> memref<1x80xi32, #tpu.memory_space<vmem>>
      %dma_start3A_322 = tpu.memref_squeeze %dma_start3A_321 : memref<1x80xi32, #tpu.memory_space<vmem>> -> memref<80xi32, #tpu.memory_space<vmem>>
      %dma_start3A_323 = arith.constant 0 : i32
      %dma_start3A_324 = arith.constant 0 : i32
      %dma_start3A_325 = tpu.memref_slice %arg15[%dma_start3A_323, %dma_start3A_324] : memref<10000x64xf32, #tpu.memory_space<vmem_shared>> -> memref<10000x64xf32, #tpu.memory_space<vmem_shared>>
      tpu.enqueue_indirect_dma source(%arg12 : memref<80x64xf32, #tpu.memory_space<vmem>>) target(%dma_start3A_325 : memref<10000x64xf32, #tpu.memory_space<vmem_shared>>) offsets(%dma_start3A_322 : memref<80xi32, #tpu.memory_space<vmem>>) semaphore(%arg32 : memref<!tpu.dma_semaphore, #tpu.memory_space<semaphore_mem>>) {add = true}
      %dma_wait3A_326 = arith.constant 0 : i32
      %dma_wait3A_327 = arith.constant 0 : i32
      %dma_wait3A_328 = tpu.memref_slice %arg13[%dma_wait3A_326, %dma_wait3A_327] : memref<250x80xi32, #tpu.memory_space<vmem>> -> memref<1x80xi32, #tpu.memory_space<vmem>>
      %dma_wait3A_329 = tpu.memref_squeeze %dma_wait3A_328 : memref<1x80xi32, #tpu.memory_space<vmem>> -> memref<80xi32, #tpu.memory_space<vmem>>
      %dma_wait3A_330 = arith.constant 0 : i32
      %dma_wait3A_331 = arith.constant 0 : i32
      %dma_wait3A_332 = tpu.memref_slice %arg15[%dma_wait3A_330, %dma_wait3A_331] : memref<10000x64xf32, #tpu.memory_space<vmem_shared>> -> memref<10000x64xf32, #tpu.memory_space<vmem_shared>>
      tpu.wait_indirect_dma semaphore(%arg30 : memref<!tpu.dma_semaphore, #tpu.memory_space<semaphore_mem>>) src(%arg10 : memref<80x64xf32, #tpu.memory_space<vmem>>) dst(%dma_wait3A_332 : memref<10000x64xf32, #tpu.memory_space<vmem_shared>>)
      %add3A_333 = arith.constant 6 : i32
      %add3A_334 = arith.addi %add3A_317, %add3A_333 : i32
      %min3A_335 = arith.constant 249 : i32
      %min3A_336 = arith.minsi %add3A_334, %min3A_335 : i32
      %mul3A_337 = arith.constant 80 : i32
      %mul3A_338 = arith.muli %min3A_336, %mul3A_337 : i32
      %add3A_339 = arith.addi %mul3A_2, %mul3A_338 : i32
      %dma_start3A_340 = tpu.memref_slice %arg2[%add3A_339, %mul3A_0] : memref<320000x128xf32, #tpu.memory_space<hbm>> -> memref<80x64xf32, #tpu.memory_space<hbm>>
      %dma_start3A_341 = tpu.memref_slice %arg2[%add3A_339, %mul3A_0] : memref<320000x128xf32, #tpu.memory_space<hbm>> -> memref<80x64xf32, #tpu.memory_space<hbm>>
      tpu.enqueue_dma source(%dma_start3A_341 : memref<80x64xf32, #tpu.memory_space<hbm>>) target(%arg10 : memref<80x64xf32, #tpu.memory_space<vmem>>) target_semaphore(%arg22 : memref<!tpu.dma_semaphore, #tpu.memory_space<semaphore_mem>>)
      %mul3A_342 = arith.constant 8 : i32
      %mul3A_343 = arith.muli %mul3A_342, %scan3A_162 : i32
      %add3A_344 = arith.constant 2 : i32
      %add3A_345 = arith.addi %add3A_344, %mul3A_343 : i32
      %add3A_346 = arith.constant 6 : i32
      %add3A_347 = arith.addi %add3A_345, %add3A_346 : i32
      %dma_wait3A_348 = tpu.memref_slice %arg2[%mul3A_2, %mul3A_0] : memref<320000x128xf32, #tpu.memory_space<hbm>> -> memref<80x64xf32, #tpu.memory_space<hbm>>
      %dma_wait3A_349 = tpu.memref_slice %arg2[%mul3A_2, %mul3A_0] : memref<320000x128xf32, #tpu.memory_space<hbm>> -> memref<80x64xf32, #tpu.memory_space<hbm>>
      tpu.wait_dma2 semaphore(%arg17 : memref<!tpu.dma_semaphore, #tpu.memory_space<semaphore_mem>>) src(%dma_wait3A_349 : memref<80x64xf32, #tpu.memory_space<hbm>>) dst(%arg5 : memref<80x64xf32, #tpu.memory_space<vmem>>)
      %dma_start3A_350 = arith.constant 0 : i32
      %dma_start3A_351 = tpu.memref_slice %arg13[%add3A_347, %dma_start3A_350] : memref<250x80xi32, #tpu.memory_space<vmem>> -> memref<1x80xi32, #tpu.memory_space<vmem>>
      %dma_start3A_352 = tpu.memref_squeeze %dma_start3A_351 : memref<1x80xi32, #tpu.memory_space<vmem>> -> memref<80xi32, #tpu.memory_space<vmem>>
      %dma_start3A_353 = arith.constant 0 : i32
      %dma_start3A_354 = arith.constant 0 : i32
      %dma_start3A_355 = tpu.memref_slice %arg15[%dma_start3A_353, %dma_start3A_354] : memref<10000x64xf32, #tpu.memory_space<vmem_shared>> -> memref<10000x64xf32, #tpu.memory_space<vmem_shared>>
      tpu.enqueue_indirect_dma source(%arg5 : memref<80x64xf32, #tpu.memory_space<vmem>>) target(%dma_start3A_355 : memref<10000x64xf32, #tpu.memory_space<vmem_shared>>) offsets(%dma_start3A_352 : memref<80xi32, #tpu.memory_space<vmem>>) semaphore(%arg25 : memref<!tpu.dma_semaphore, #tpu.memory_space<semaphore_mem>>) {add = true}
      %dma_wait3A_356 = arith.constant 0 : i32
      %dma_wait3A_357 = arith.constant 0 : i32
      %dma_wait3A_358 = tpu.memref_slice %arg13[%dma_wait3A_356, %dma_wait3A_357] : memref<250x80xi32, #tpu.memory_space<vmem>> -> memref<1x80xi32, #tpu.memory_space<vmem>>
      %dma_wait3A_359 = tpu.memref_squeeze %dma_wait3A_358 : memref<1x80xi32, #tpu.memory_space<vmem>> -> memref<80xi32, #tpu.memory_space<vmem>>
      %dma_wait3A_360 = arith.constant 0 : i32
      %dma_wait3A_361 = arith.constant 0 : i32
      %dma_wait3A_362 = tpu.memref_slice %arg15[%dma_wait3A_360, %dma_wait3A_361] : memref<10000x64xf32, #tpu.memory_space<vmem_shared>> -> memref<10000x64xf32, #tpu.memory_space<vmem_shared>>
      tpu.wait_indirect_dma semaphore(%arg31 : memref<!tpu.dma_semaphore, #tpu.memory_space<semaphore_mem>>) src(%arg11 : memref<80x64xf32, #tpu.memory_space<vmem>>) dst(%dma_wait3A_362 : memref<10000x64xf32, #tpu.memory_space<vmem_shared>>)
      %add3A_363 = arith.constant 6 : i32
      %add3A_364 = arith.addi %add3A_347, %add3A_363 : i32
      %min3A_365 = arith.constant 249 : i32
      %min3A_366 = arith.minsi %add3A_364, %min3A_365 : i32
      %mul3A_367 = arith.constant 80 : i32
      %mul3A_368 = arith.muli %min3A_366, %mul3A_367 : i32
      %add3A_369 = arith.addi %mul3A_2, %mul3A_368 : i32
      %dma_start3A_370 = tpu.memref_slice %arg2[%add3A_369, %mul3A_0] : memref<320000x128xf32, #tpu.memory_space<hbm>> -> memref<80x64xf32, #tpu.memory_space<hbm>>
      %dma_start3A_371 = tpu.memref_slice %arg2[%add3A_369, %mul3A_0] : memref<320000x128xf32, #tpu.memory_space<hbm>> -> memref<80x64xf32, #tpu.memory_space<hbm>>
      tpu.enqueue_dma source(%dma_start3A_371 : memref<80x64xf32, #tpu.memory_space<hbm>>) target(%arg11 : memref<80x64xf32, #tpu.memory_space<vmem>>) target_semaphore(%arg23 : memref<!tpu.dma_semaphore, #tpu.memory_space<semaphore_mem>>)
      %mul3A_372 = arith.constant 8 : i32
      %mul3A_373 = arith.muli %mul3A_372, %scan3A_162 : i32
      %add3A_374 = arith.constant 2 : i32
      %add3A_375 = arith.addi %add3A_374, %mul3A_373 : i32
      %add3A_376 = arith.constant 7 : i32
      %add3A_377 = arith.addi %add3A_375, %add3A_376 : i32
      %dma_wait3A_378 = tpu.memref_slice %arg2[%mul3A_2, %mul3A_0] : memref<320000x128xf32, #tpu.memory_space<hbm>> -> memref<80x64xf32, #tpu.memory_space<hbm>>
      %dma_wait3A_379 = tpu.memref_slice %arg2[%mul3A_2, %mul3A_0] : memref<320000x128xf32, #tpu.memory_space<hbm>> -> memref<80x64xf32, #tpu.memory_space<hbm>>
      tpu.wait_dma2 semaphore(%arg18 : memref<!tpu.dma_semaphore, #tpu.memory_space<semaphore_mem>>) src(%dma_wait3A_379 : memref<80x64xf32, #tpu.memory_space<hbm>>) dst(%arg6 : memref<80x64xf32, #tpu.memory_space<vmem>>)
      %dma_start3A_380 = arith.constant 0 : i32
      %dma_start3A_381 = tpu.memref_slice %arg13[%add3A_377, %dma_start3A_380] : memref<250x80xi32, #tpu.memory_space<vmem>> -> memref<1x80xi32, #tpu.memory_space<vmem>>
      %dma_start3A_382 = tpu.memref_squeeze %dma_start3A_381 : memref<1x80xi32, #tpu.memory_space<vmem>> -> memref<80xi32, #tpu.memory_space<vmem>>
      %dma_start3A_383 = arith.constant 0 : i32
      %dma_start3A_384 = arith.constant 0 : i32
      %dma_start3A_385 = tpu.memref_slice %arg15[%dma_start3A_383, %dma_start3A_384] : memref<10000x64xf32, #tpu.memory_space<vmem_shared>> -> memref<10000x64xf32, #tpu.memory_space<vmem_shared>>
      tpu.enqueue_indirect_dma source(%arg6 : memref<80x64xf32, #tpu.memory_space<vmem>>) target(%dma_start3A_385 : memref<10000x64xf32, #tpu.memory_space<vmem_shared>>) offsets(%dma_start3A_382 : memref<80xi32, #tpu.memory_space<vmem>>) semaphore(%arg26 : memref<!tpu.dma_semaphore, #tpu.memory_space<semaphore_mem>>) {add = true}
      %dma_wait3A_386 = arith.constant 0 : i32
      %dma_wait3A_387 = arith.constant 0 : i32
      %dma_wait3A_388 = tpu.memref_slice %arg13[%dma_wait3A_386, %dma_wait3A_387] : memref<250x80xi32, #tpu.memory_space<vmem>> -> memref<1x80xi32, #tpu.memory_space<vmem>>
      %dma_wait3A_389 = tpu.memref_squeeze %dma_wait3A_388 : memref<1x80xi32, #tpu.memory_space<vmem>> -> memref<80xi32, #tpu.memory_space<vmem>>
      %dma_wait3A_390 = arith.constant 0 : i32
      %dma_wait3A_391 = arith.constant 0 : i32
      %dma_wait3A_392 = tpu.memref_slice %arg15[%dma_wait3A_390, %dma_wait3A_391] : memref<10000x64xf32, #tpu.memory_space<vmem_shared>> -> memref<10000x64xf32, #tpu.memory_space<vmem_shared>>
      tpu.wait_indirect_dma semaphore(%arg32 : memref<!tpu.dma_semaphore, #tpu.memory_space<semaphore_mem>>) src(%arg12 : memref<80x64xf32, #tpu.memory_space<vmem>>) dst(%dma_wait3A_392 : memref<10000x64xf32, #tpu.memory_space<vmem_shared>>)
      %add3A_393 = arith.constant 6 : i32
      %add3A_394 = arith.addi %add3A_377, %add3A_393 : i32
      %min3A_395 = arith.constant 249 : i32
      %min3A_396 = arith.minsi %add3A_394, %min3A_395 : i32
      %mul3A_397 = arith.constant 80 : i32
      %mul3A_398 = arith.muli %min3A_396, %mul3A_397 : i32
      %add3A_399 = arith.addi %mul3A_2, %mul3A_398 : i32
      %dma_start3A_400 = tpu.memref_slice %arg2[%add3A_399, %mul3A_0] : memref<320000x128xf32, #tpu.memory_space<hbm>> -> memref<80x64xf32, #tpu.memory_space<hbm>>
      %dma_start3A_401 = tpu.memref_slice %arg2[%add3A_399, %mul3A_0] : memref<320000x128xf32, #tpu.memory_space<hbm>> -> memref<80x64xf32, #tpu.memory_space<hbm>>
      tpu.enqueue_dma source(%dma_start3A_401 : memref<80x64xf32, #tpu.memory_space<hbm>>) target(%arg12 : memref<80x64xf32, #tpu.memory_space<vmem>>) target_semaphore(%arg24 : memref<!tpu.dma_semaphore, #tpu.memory_space<semaphore_mem>>)
    }
    %scan3A_134 = arith.constant 31 : i32
    %dma_wait3A_135 = tpu.memref_slice %arg2[%mul3A_2, %mul3A_0] : memref<320000x128xf32, #tpu.memory_space<hbm>> -> memref<80x64xf32, #tpu.memory_space<hbm>>
    %dma_wait3A_136 = tpu.memref_slice %arg2[%mul3A_2, %mul3A_0] : memref<320000x128xf32, #tpu.memory_space<hbm>> -> memref<80x64xf32, #tpu.memory_space<hbm>>
    tpu.wait_dma2 semaphore(%arg19 : memref<!tpu.dma_semaphore, #tpu.memory_space<semaphore_mem>>) src(%dma_wait3A_136 : memref<80x64xf32, #tpu.memory_space<hbm>>) dst(%arg7 : memref<80x64xf32, #tpu.memory_space<vmem>>)
    %dma_wait3A_137 = tpu.memref_slice %arg2[%mul3A_2, %mul3A_0] : memref<320000x128xf32, #tpu.memory_space<hbm>> -> memref<80x64xf32, #tpu.memory_space<hbm>>
    %dma_wait3A_138 = tpu.memref_slice %arg2[%mul3A_2, %mul3A_0] : memref<320000x128xf32, #tpu.memory_space<hbm>> -> memref<80x64xf32, #tpu.memory_space<hbm>>
    tpu.wait_dma2 semaphore(%arg20 : memref<!tpu.dma_semaphore, #tpu.memory_space<semaphore_mem>>) src(%dma_wait3A_138 : memref<80x64xf32, #tpu.memory_space<hbm>>) dst(%arg8 : memref<80x64xf32, #tpu.memory_space<vmem>>)
    %dma_wait3A_139 = tpu.memref_slice %arg2[%mul3A_2, %mul3A_0] : memref<320000x128xf32, #tpu.memory_space<hbm>> -> memref<80x64xf32, #tpu.memory_space<hbm>>
    %dma_wait3A_140 = tpu.memref_slice %arg2[%mul3A_2, %mul3A_0] : memref<320000x128xf32, #tpu.memory_space<hbm>> -> memref<80x64xf32, #tpu.memory_space<hbm>>
    tpu.wait_dma2 semaphore(%arg21 : memref<!tpu.dma_semaphore, #tpu.memory_space<semaphore_mem>>) src(%dma_wait3A_140 : memref<80x64xf32, #tpu.memory_space<hbm>>) dst(%arg9 : memref<80x64xf32, #tpu.memory_space<vmem>>)
    %dma_wait3A_141 = tpu.memref_slice %arg2[%mul3A_2, %mul3A_0] : memref<320000x128xf32, #tpu.memory_space<hbm>> -> memref<80x64xf32, #tpu.memory_space<hbm>>
    %dma_wait3A_142 = tpu.memref_slice %arg2[%mul3A_2, %mul3A_0] : memref<320000x128xf32, #tpu.memory_space<hbm>> -> memref<80x64xf32, #tpu.memory_space<hbm>>
    tpu.wait_dma2 semaphore(%arg22 : memref<!tpu.dma_semaphore, #tpu.memory_space<semaphore_mem>>) src(%dma_wait3A_142 : memref<80x64xf32, #tpu.memory_space<hbm>>) dst(%arg10 : memref<80x64xf32, #tpu.memory_space<vmem>>)
    %dma_wait3A_143 = tpu.memref_slice %arg2[%mul3A_2, %mul3A_0] : memref<320000x128xf32, #tpu.memory_space<hbm>> -> memref<80x64xf32, #tpu.memory_space<hbm>>
    %dma_wait3A_144 = tpu.memref_slice %arg2[%mul3A_2, %mul3A_0] : memref<320000x128xf32, #tpu.memory_space<hbm>> -> memref<80x64xf32, #tpu.memory_space<hbm>>
    tpu.wait_dma2 semaphore(%arg23 : memref<!tpu.dma_semaphore, #tpu.memory_space<semaphore_mem>>) src(%dma_wait3A_144 : memref<80x64xf32, #tpu.memory_space<hbm>>) dst(%arg11 : memref<80x64xf32, #tpu.memory_space<vmem>>)
    %dma_wait3A_145 = tpu.memref_slice %arg2[%mul3A_2, %mul3A_0] : memref<320000x128xf32, #tpu.memory_space<hbm>> -> memref<80x64xf32, #tpu.memory_space<hbm>>
    %dma_wait3A_146 = tpu.memref_slice %arg2[%mul3A_2, %mul3A_0] : memref<320000x128xf32, #tpu.memory_space<hbm>> -> memref<80x64xf32, #tpu.memory_space<hbm>>
    tpu.wait_dma2 semaphore(%arg24 : memref<!tpu.dma_semaphore, #tpu.memory_space<semaphore_mem>>) src(%dma_wait3A_146 : memref<80x64xf32, #tpu.memory_space<hbm>>) dst(%arg12 : memref<80x64xf32, #tpu.memory_space<vmem>>)
    %dma_wait3A_147 = arith.constant 0 : i32
    %dma_wait3A_148 = arith.constant 0 : i32
    %dma_wait3A_149 = tpu.memref_slice %arg13[%dma_wait3A_147, %dma_wait3A_148] : memref<250x80xi32, #tpu.memory_space<vmem>> -> memref<1x80xi32, #tpu.memory_space<vmem>>
    %dma_wait3A_150 = tpu.memref_squeeze %dma_wait3A_149 : memref<1x80xi32, #tpu.memory_space<vmem>> -> memref<80xi32, #tpu.memory_space<vmem>>
    %dma_wait3A_151 = arith.constant 0 : i32
    %dma_wait3A_152 = arith.constant 0 : i32
    %dma_wait3A_153 = tpu.memref_slice %arg15[%dma_wait3A_151, %dma_wait3A_152] : memref<10000x64xf32, #tpu.memory_space<vmem_shared>> -> memref<10000x64xf32, #tpu.memory_space<vmem_shared>>
    tpu.wait_indirect_dma semaphore(%arg25 : memref<!tpu.dma_semaphore, #tpu.memory_space<semaphore_mem>>) src(%arg5 : memref<80x64xf32, #tpu.memory_space<vmem>>) dst(%dma_wait3A_153 : memref<10000x64xf32, #tpu.memory_space<vmem_shared>>)
    %dma_wait3A_154 = arith.constant 0 : i32
    %dma_wait3A_155 = arith.constant 0 : i32
    %dma_wait3A_156 = tpu.memref_slice %arg13[%dma_wait3A_154, %dma_wait3A_155] : memref<250x80xi32, #tpu.memory_space<vmem>> -> memref<1x80xi32, #tpu.memory_space<vmem>>
    %dma_wait3A_157 = tpu.memref_squeeze %dma_wait3A_156 : memref<1x80xi32, #tpu.memory_space<vmem>> -> memref<80xi32, #tpu.memory_space<vmem>>
    %dma_wait3A_158 = arith.constant 0 : i32
    %dma_wait3A_159 = arith.constant 0 : i32
    %dma_wait3A_160 = tpu.memref_slice %arg15[%dma_wait3A_158, %dma_wait3A_159] : memref<10000x64xf32, #tpu.memory_space<vmem_shared>> -> memref<10000x64xf32, #tpu.memory_space<vmem_shared>>
    tpu.wait_indirect_dma semaphore(%arg26 : memref<!tpu.dma_semaphore, #tpu.memory_space<semaphore_mem>>) src(%arg6 : memref<80x64xf32, #tpu.memory_space<vmem>>) dst(%dma_wait3A_160 : memref<10000x64xf32, #tpu.memory_space<vmem_shared>>)
    %barrier3A_161 = arith.constant 0 : index
    tpu.barrier barrier_id(%barrier3A_161)
    "tpu.region"() ({
      %run_scoped3A = tpu.sem_alloc : memref<!tpu.dma_semaphore, #tpu.memory_space<semaphore_mem>>
      %dma_start3A_162 = tpu.memref_slice %arg4[%mul3A_37, %mul3A_0] : memref<10000x128xf32, #tpu.memory_space<hbm>> -> memref<625x64xf32, #tpu.memory_space<hbm>>
      %dma_start3A_163 = arith.constant 0 : i32
      %dma_start3A_164 = tpu.memref_slice %arg15[%mul3A_37, %dma_start3A_163] : memref<10000x64xf32, #tpu.memory_space<vmem_shared>> -> memref<625x64xf32, #tpu.memory_space<vmem_shared>>
      tpu.enqueue_dma source(%dma_start3A_164 : memref<625x64xf32, #tpu.memory_space<vmem_shared>>) target(%dma_start3A_162 : memref<625x64xf32, #tpu.memory_space<hbm>>) target_semaphore(%run_scoped3A : memref<!tpu.dma_semaphore, #tpu.memory_space<semaphore_mem>>)
      %dma_wait3A_165 = tpu.memref_slice %arg4[%mul3A_37, %mul3A_0] : memref<10000x128xf32, #tpu.memory_space<hbm>> -> memref<625x64xf32, #tpu.memory_space<hbm>>
      %dma_wait3A_166 = arith.constant 0 : i32
      %dma_wait3A_167 = tpu.memref_slice %arg15[%mul3A_37, %dma_wait3A_166] : memref<10000x64xf32, #tpu.memory_space<vmem_shared>> -> memref<625x64xf32, #tpu.memory_space<vmem_shared>>
      tpu.wait_dma2 semaphore(%run_scoped3A : memref<!tpu.dma_semaphore, #tpu.memory_space<semaphore_mem>>) src(%dma_wait3A_167 : memref<625x64xf32, #tpu.memory_space<vmem_shared>>) dst(%dma_wait3A_165 : memref<625x64xf32, #tpu.memory_space<hbm>>)
      tpu.yield
    }) : () -> ()
    return
  }
}

</mosaic_0001>

<sc_bundles>
// kernel: kernel.3.cloned.1.call-start
scs
__scs_entry_jumppad:
0x0: {  	(pc) =	sbr.rel $0x88, $3  }
0x1: {  	(tag) =	ssettag $0x0;
	lr =	simm.s32 $0x1  }
0x2: {  	[smem:$0x3F9F] =	sst lr;
	_ =	strace $0xD0000000  }
0x3: {  	_ = 	snop  }
0x4: {  	_ = 	snop  }
0x5: {  	_ = 	snop  }
0x6: {  	_ = 	snop  }
0x7: {  	_ = 	snop  }
__scs_overlays_trampoline_lowered:
0x8: {  	[smem:$0x3FAE] =	sst s0  }
0x9: {  	[smem:$0x3FAF] =	sst s1  }
0xa: {  	[smem:$0x3FB0] =	sst s2  }
0xb: {  	[smem:$0x3FB1] =	sst s3  }
0xc: {  	[smem:$0x3FB2] =	sst s4  }
0xd: {  	[smem:$0x3FB3] =	sst s5  }
0xe: {  	[smem:$0x3FB4] =	sst s6  }
0xf: {  	[smem:$0x3FB5] =	sst s7  }
0x10: {  	[smem:$0x3FB6] =	sst s8  }
0x11: {  	[smem:$0x3FB7] =	sst s9;
	s0 =	simm.s32 @!p0 $0x0  }
0x12: {  	s1 =	sld [smem:$0x3F9D];
	s0 =	simm.s32 @p0 $0x1  }
0x13: {  	[smem:$0x3FB8] =	sst s0;
	s0 =	simm.s32 @!p1 $0x0  }
0x14: {  	s2 =	sld [smem:$0x3F9C];
	s0 =	simm.s32 @p1 $0x1  }
0x15: {  	[smem:$0x3FB9] =	sst s0;
	s0 =	simm.s32 @!p2 $0x0  }
0x16: {  	s3 =	sld [smem:$0x3FDB];
	s0 =	simm.s32 @p2 $0x1  }
0x17: {  	s4 =	simm.s32 $0x1BF5;
	[smem:$0x3FBB] =	sst s0  }
0x18: {  	s0 =	sld [smem:$0x3F9E];
	_ =	swait.ge [sflag:s4], $0x0  }
0x19: {  	s7 =	sld [smem:$0x3F9F]  }
0x1a: {  	s8 =	sadd.s32 $0xFFFFE003, lr  }
0x1b: {  	s9 =	sadd.s32 $0xFFFFFEF7, lr;
	s5 =	simm.s32 $0xFFFFFFFF;
	p2 =	slt.u32 s8, $0xFFFFF086  }
0x1c: {  	p1 =	slt.u32 s9, $0xF7A;
	s5 =	simm.s32 @!p2 $0x0  }
0x1d: {  	s5 =	simm.s32 @p1 $0x1;
	p0 =	seq.s32 s7, s2  }
0x1e: {  	s7 =	smul.u32 @!p0 $0xF7A, s2;
	p2 =	seq.s32 @!p0 s5, $0x0  }
0x1f: {  	s9 =	smul.u32 $0xF7A, s1;
	s8 =	simm.s32 @!p0 $0x1BF5;
	p2 =	por !p2, p0  }
0x20: {  	[sflag:s8] =	ssyncset.s32 @!p0 $0xFFFFF086;
	s6 =	sadd.s32 @!p0 s3, s7;
	s7 =	simm.s32 @!p0 $0x108  }
0x21: {  	s3 =	sadd.s32 s3, s9;
	s6 =	sadd.s32 @!p0 $0x88, s6;
	s7 =	simm.s32 @p2 $0x1082  }
0x22: {  	[simem:s7], [sflag:s8] =	dma.local @!p0 [hbm:s6], $0xF7A  }
0x23: {  	s9 =	sor.u32 $0xD0000000, s2;
	s6 =	simm.s32 $0x108;
	_ =	swait.ge @!p0 [sflag:s8], $0x0  }
0x24: {  	s3 =	sadd.s32 $0x88, s3;
	s6 =	simm.s32 @!p1 $0x1082;
	[sflag:s4] =	ssyncset.s32 $0xFFFFF086  }
0x25: {  	[simem:s6], [sflag:s4] =	dma.local [hbm:s3], $0xF7A  }
0x26: {  	[smem:$0x3F9F] =	sst s1;
	(tag) =	ssettag s2;
	_ =	strace s9  }
0x27: {  	s1 =	sld [smem:$0x3FAF]  }
0x28: {  	s2 =	sld [smem:$0x3FB0]  }
0x29: {  	s4 =	sld [smem:$0x3FB2]  }
0x2a: {  	p0 =	seq.s32 s5, $0x0;
	s5 =	sld [smem:$0x3FB3]  }
0x2b: {  	s6 =	sld [smem:$0x3FB4]  }
0x2c: {  	s7 =	sld [smem:$0x3FB5]  }
0x2d: {  	s3 =	simm.s32 $0x108;
	s8 =	sld [smem:$0x3FB6]  }
0x2e: {  	s3 =	simm.s32 @!p0 $0x1082;
	s9 =	sld [smem:$0x3FB7]  }
0x2f: {  	lr =	sadd.s32 s0, s3;
	s0 =	sld [smem:$0x3FAE]  }
0x30: {  	s3 =	sld [smem:$0x3FB1]  }
0x31: {  	[smem:$0x3FBA] =	sst s10  }
0x32: {  	s10 =	sld [smem:$0x3FB8];
	_ =	sdelay $0x3  }
0x33: {  	p0 =	seq.s32 s10, $0x1;
	s10 =	sld [smem:$0x3FBA];
	_ =	sdelay $0x3  }
0x34: {  	[smem:$0x3FBA] =	sst s10  }
0x35: {  	s10 =	sld [smem:$0x3FB9];
	_ =	sdelay $0x3  }
0x36: {  	p1 =	seq.s32 s10, $0x1;
	s10 =	sld [smem:$0x3FBA];
	_ =	sdelay $0x3  }
0x37: {  	[smem:$0x3FBA] =	sst s10  }
0x38: {  	s10 =	sld [smem:$0x3FBB]  }
0x39: {  	_ = 	snop;
	(pc) =	sbr.ind lr, $3  }
0x3a: {  	_ = 	snop  }
0x3b: {  	_ = 	snop  }
0x3c: {  	p2 =	seq.s32 s10, $0x1;
	s10 =	sld [smem:$0x3FBA]  }
0x3d: {  	_ =	shalt  }
0x3e: {  	_ =	shalt  }
0x3f: {  	_ =	shalt  }
0x40: {  	_ =	shalt  }
0x41: {  	_ =	shalt  }
0x42: {  	_ =	shalt  }
0x43: {  	_ =	shalt  }
0x44: {  	_ =	shalt  }
0x45: {  	_ =	shalt  }
0x46: {  	_ =	shalt  }
0x47: {  	_ =	shalt  }
0x48: {  	_ =	shalt  }
0x49: {  	_ =	shalt  }
0x4a: {  	_ =	shalt  }
0x4b: {  	_ =	shalt  }
0x4c: {  	_ =	shalt  }
0x4d: {  	_ =	shalt  }
0x4e: {  	_ =	shalt  }
0x4f: {  	_ =	shalt  }
0x50: {  	_ =	shalt  }
0x51: {  	_ =	shalt  }
0x52: {  	_ =	shalt  }
0x53: {  	_ =	shalt  }
0x54: {  	_ =	shalt  }
0x55: {  	_ =	shalt  }
0x56: {  	_ =	shalt  }
0x57: {  	_ =	shalt  }
0x58: {  	_ =	shalt  }
0x59: {  	_ =	shalt  }
0x5a: {  	_ =	shalt  }
0x5b: {  	_ =	shalt  }
0x5c: {  	_ =	shalt  }
0x5d: {  	_ =	shalt  }
0x5e: {  	_ =	shalt  }
0x5f: {  	_ =	shalt  }
0x60: {  	_ =	shalt  }
0x61: {  	_ =	shalt  }
0x62: {  	_ =	shalt  }
0x63: {  	_ =	shalt  }
0x64: {  	_ =	shalt  }
0x65: {  	_ =	shalt  }
0x66: {  	_ =	shalt  }
0x67: {  	_ =	shalt  }
0x68: {  	_ =	shalt  }
0x69: {  	_ =	shalt  }
0x6a: {  	_ =	shalt  }
0x6b: {  	_ =	shalt  }
0x6c: {  	_ =	shalt  }
0x6d: {  	_ =	shalt  }
0x6e: {  	_ =	shalt  }
0x6f: {  	_ =	shalt  }
0x70: {  	_ =	shalt  }
0x71: {  	_ =	shalt  }
0x72: {  	_ =	shalt  }
0x73: {  	_ =	shalt  }
0x74: {  	_ =	shalt  }
0x75: {  	_ =	shalt  }
0x76: {  	_ =	shalt  }
0x77: {  	_ =	shalt  }
0x78: {  	_ =	shalt  }
0x79: {  	_ =	shalt  }
0x7a: {  	_ =	shalt  }
0x7b: {  	_ =	shalt  }
0x7c: {  	_ =	shalt  }
0x7d: {  	_ =	shalt  }
0x7e: {  	_ =	shalt  }
0x7f: {  	_ =	shalt  }
0x80: {  	_ =	shalt  }
0x81: {  	_ =	shalt  }
0x82: {  	_ =	shalt  }
0x83: {  	_ =	shalt  }
0x84: {  	_ =	shalt  }
0x85: {  	_ =	shalt  }
0x86: {  	_ =	shalt  }
0x87: {  	_ =	shalt  }
.Lfunc_end0:
.L_simem_size_0:
called_computation_lowered:
.L_overlay_start_0:
0x88: {  	s2 =	sld [smem:$0x3FD9]  }
0x89: {  	s3 =	sld [smem:$0x3FFE];
	_ =	sdelay $0x1  }
0x8a: {  	s1 =	srdreg.scid  }
0x8b: {  	s0 =	sand.u32 $0x1, s1  }
0x8c: {  	s18 =	sshll.u32 s0, $0xA;
	s2 =	sadd.s32 s3, s2  }
0x8d: {  	s2 =	sadd.s32 s2, s18  }
0x8e: {  	[smem:$0x3FC6] =	sst s2  }
0x8f: {  	_ = 	snop  }
0x90: {  	s2 =	sld [smem:$0x3FC9]  }
0x91: {  	s19 =	sld [smem:$0x3FC8]  }
0x92: {  	s4 =	sld [smem:$0x3FD0];
	(tm) =	ssettm $0x1  }
0x93: {  	s5 =	sld [smem:$0x3FFB];
	_ =	sdelay $0x3  }
0x94: {  	_ =	strace s5  }
0x95: {  	s5 =	sld [smem:$0x3FFC];
	_ =	sdelay $0x3  }
0x96: {  	_ =	strace s5  }
0x97: {  	s5 =	sld [smem:$0x3FFD];
	_ =	sdelay $0x3  }
0x98: {  	_ =	strace s5  }
0x99: {  	_ =	strace $0x8FFFFFFF  }
0x9a: {  	s20 =	sld [smem:$0x3FDB];
	_ =	sdelay $0x1  }
0x9b: {  	s6 =	simm.s32 $_scs_section_size  }
0x9c: {  	s7 =	simm.s32 $_size__tile_overlayer_lowered;
	s8 =	simm.s32 $_tile_overlayer_lowered  }
0x9d: {  	s23 =	simm.s32 $0x1BFF;
	s22 =	sshll.u32 s8, $0x1;
	s5 =	sadd.s32 s6, s20  }
0x9e: {  	s9 =	simm.s32 $0x0;
	s21 =	sshll.u32 s7, $0x1;
	s7 =	sadd.s32 s22, s5  }
0x9f: {  	[timem:s9], [sflag:s23] =	dma.local [hbm:s7], s21  }
0xa0: {  	_ =	swait.ge [sflag:s23], s21  }
0xa1: {  	s6 =	ssub.s32 $0x0, s21;
	[sflag:s23] =	ssyncset.done $0x0  }
0xa2: {  	[sflag:s23] =	ssyncadd.s32 s6;
	_ =	sdelay $0x1  }
0xa3: {  	s24 =	simm.s32 $0x1B8B  }
0xa4: {  	_ =	swait.ge [sflag:s24], $0x1  }
0xa5: {  	[sflag:s24] =	ssyncset.done $0x0  }
0xa6: {  	s25 =	simm.s32 $0x1B8E;
	[sflag:s24] =	ssyncadd.s32 $0xFFFFFFFF  }
0xa7: {  	s26 =	simm.s32 $execute0_lowered;
	[smem:$0x3FD2] =	sst s25  }
0xa8: {  	s6 =	sshll.u32 s26, $0x1;
	_ =	strace $0x80000046;
	[dreg:$0x1] =	wrdreg $0xFFFFFFFF  }
0xa9: {  	s28 =	simm.s32 $_size_execute0_lowered;
	s5 =	sadd.s32 s5, s6;
	[dreg:$0x0] =	wrdreg $0x0  }
0xaa: {  	s6 =	sshll.u32 s28, $0x1;
	[dreg:$0x2] =	wrdreg s5  }
0xab: {  	[dreg:$0x3] =	wrdreg s6  }
0xac: {  	[dreg:$0x4] =	wrdreg $0xC0  }
0xad: {  	_ =	task [dreg:s9], $0x5FFFF  }
0xae: {  	[dreg:$0x1] =	wrdreg $0xFFFFFFFF  }
0xaf: {  	[dreg:$0x0] =	wrdreg $0x60  }
0xb0: {  	[dreg:$0x2] =	wrdreg s2  }
0xb1: {  	[dreg:$0x3] =	wrdreg s19  }
0xb2: {  	[dreg:$0x4] =	wrdreg s4  }
0xb3: {  	[dreg:$0x5] =	wrdreg $0x10D600  }
0xb4: {  	[dreg:$0x6] =	wrdreg $0x9  }
0xb5: {  	_ =	task.clear_ibuf [dreg:s9], $0x7FFFF;
	_ =	strace $0x90000046  }
0xb6: {  	s29 =	simm.s32 $0x9;
	_ =	strace $0x80000048  }
0xb7: {  	_ =	swait.ge [sflag:s29], $0x1  }
0xb8: {  	[sflag:s29] =	ssyncadd.s32 $0xFFFFFFFF  }
0xb9: {  	_ =	strace $0x90000048  }
0xba: {  	_ =	sfence  }
0xbb: {  	s30 =	sld [smem:$0x0];
	_ =	sdelay $0x2  }
0xbc: {  	s31 =	sshll.u32 s1, $0xD;
	s1 =	sshrl.u32 s1, $0x2  }
0xbd: {  	s3 =	sand.u32 $0x4000, s31;
	s1 =	sadd.s32 s1, s30  }
0xbe: {  	s0 =	sor.u32 s3, s0;
	s1 =	sshll.u32 s1, $0x11  }
0xbf: {  	s0 =	sor.u32 s1, s0  }
0xc0: {  	s0 =	sadd.s32 $0x8F2B, s0  }
0xc1: {  	[sflag:s0] =	ssyncadd.remote.s32 $0x1  }
0xc2: {  	_ =	sfence.sel $0xFFFF  }
0xc3: {  	[dreg:$0x0] =	wrdreg $0xFFFFFFFF;
	(pc) =	sbr.abs _section_cstart, $3  }
0xc4: {  	[dreg:$0x1] =	wrdreg $0xFFFFFFFF  }
0xc5: {  	_ =	task.clear_ibuf [dreg:s9], $0x2FFFF;
	_ =	strace $0x9FFFFFFF  }
0xc6: {  	(tm) =	ssettm $0x7FFFFFFF  }
0xc7: {  	_ =	shalt  }
tec
execute0_lowered:
.L_overlay_start_1:
0x0: {  	(tag) =	ssettag $0x1  }
0x1: {  	s1 =	rddreg [dreg:$0x0]  }
0x2: {  	s3 =	rddreg [dreg:$0x1]  }
0x3: {  	s0 =	rddreg [dreg:$0x2]  }
0x4: {  	s2 =	rddreg [dreg:$0x3];
	s29 =	simm.s32 $0x0;
	s10 =	stileid.u32  }
0x5: {  	s4 =	srdreg.scid;
	s30 =	simm.s32 $0xA000;
	s7 =	smul.u32 $0x271000, s10  }
0x6: {  	s31 =	simm.s32 $0x1;
	s4 =	sand.u32 $0x1, s4;
	s9 =	smul.u32 $0x9C4, s10  }
0x7: {  	[smem:$0x7FF] =	sst s29;
	s24 =	smul.u32 $0x27100, s10;
	s6 =	ssub.s32 $0x2, s4  }
0x8: {  	_ =	strace $0x80000047;
	s5 =	sshll.u32 s4, $0x6;
	s8 =	sshrl.u32 s6, $0x1  }
0x9: {  	s7 =	sor.u32 s5, s7;
	s3 =	sadd.s32 s3, s9;
	s4 =	ssub.s32 s6, s8  }
0xa: {  	s6 =	smul.u32 $0x4E20, s10;
	[dreg:$0xb] =	wrdreg s3;
	s17 =	sshrl.u32 s7, $0x3  }
0xb: {  	s18 =	sadd.s32 $0x2800, s7;
	s20 =	sadd.s32 $0x5000, s7;
	s22 =	sadd.s32 $0x7800, s7  }
0xc: {  	s26 =	sadd.s32 $0xC800, s7;
	s8 =	sshrl.u32 s24, $0x2;
	s3 =	sadd.s32 s1, s17  }
0xd: {  	s9 =	sshrl.u32 s26, $0x3;
	s26 =	smax.u32 s4, $0x1;
	[dreg:$0xc] =	wrdreg s3  }
0xe: {  	s19 =	sshrl.u32 s18, $0x3;
	s11 =	sadd.s32 s8, s2;
	[dreg:$0x1a] =	wrdreg s26  }
0xf: {  	s25 =	sadd.s32 $0xA000, s7;
	s3 =	sadd.s32 s1, s19;
	[dreg:$0x12] =	wrdreg s11  }
0x10: {  	s13 =	sadd.s32 $0xF000, s7;
	s28 =	sadd.s32 s1, s9;
	[dreg:$0xd] =	wrdreg s3  }
0x11: {  	s15 =	sadd.s32 $0x11800, s7;
	s9 =	sadd.s32 $0x1F40, s11;
	[dreg:$0x11] =	wrdreg s28  }
0x12: {  	s21 =	sshrl.u32 s20, $0x3;
	s12 =	sadd.s32 $0x3E80, s11;
	[dreg:$0x13] =	wrdreg s9  }
0x13: {  	s23 =	sshrl.u32 s22, $0x3;
	s8 =	sadd.s32 $0x5DC0, s11;
	[dreg:$0x14] =	wrdreg s12  }
0x14: {  	s4 =	simm.s32 $0x0;
	s14 =	sadd.s32 $0x7D00, s11;
	[dreg:$0x15] =	wrdreg s8  }
0x15: {  	s16 =	sadd.s32 $0x320, s6;
	s17 =	sadd.s32 $0x370, s6;
	[dreg:$0x16] =	wrdreg s14  }
0x16: {  	s18 =	sadd.s32 $0x3C0, s6;
	s19 =	smul.u32 $0x13880, s10;
	[dreg:$0x5] =	wrdreg s16  }
0x17: {  	s20 =	sadd.s32 $0x410, s6;
	s26 =	simm.s32 $0x80;
	[dreg:$0x6] =	wrdreg s17  }
0x18: {  	s10 =	simm.s32 $0xB;
	s3 =	sadd.s32 s1, s21;
	[dreg:$0x7] =	wrdreg s18  }
0x19: {  	[dreg:$0x8] =	wrdreg s20;
	s21 =	sadd.s32 $0x460, s6;
	s28 =	sadd.s32 $0x14000, s7  }
0x1a: {  	s17 =	simm.s32 $0x2800;
	s8 =	simm.s32 $0x6400;
	s9 =	simm.s32 $0xA  }
0x1b: {  	s12 =	simm.s32 $0xC;
	s16 =	simm.s32 $0xD;
	s18 =	simm.s32 $0xE  }
0x1c: {  	s14 =	simm.s32 $0x50;
	[dreg:$0xe] =	wrdreg s3;
	s3 =	sadd.s32 s1, s23  }
0x1d: {  	s22 =	sor.u32 s5, s19;
	[dreg:$0x9] =	wrdreg s21;
	s23 =	sadd.s32 $0x4B0, s6  }
0x1e: {  	[dreg:$0x1b] =	wrdreg s28;
	s6 =	simm.s32 $0x3C00;
	s19 =	simm.s32 $0x2  }
0x1f: {  	s21 =	simm.s32 $0x5000;
	[dreg:$0xf] =	wrdreg s3;
	s3 =	sshrl.u32 s25, $0x3  }
0x20: {  	s24 =	sshrl.u32 s22, $0x3;
	[dreg:$0xa] =	wrdreg s23;
	s25 =	sadd.s32 $0x16800, s7  }
0x21: {  	s7 =	simm.s32 $0x5000;
	s23 =	simm.s32 $0x8;
	s3 =	sadd.s32 s1, s3  }
0x22: {  	s22 =	simm.s32 $0x6400;
	s0 =	sadd.s32 s0, s24;
	[dreg:$0x10] =	wrdreg s3  }
0x23: {  	s24 =	simm.s32 $0x7800;
	s3 =	sshrl.u32 s13, $0x3;
	[dreg:$0x19] =	wrdreg s0  }
0x24: {  	s0 =	sshrl.u32 s25, $0x3;
	s25 =	simm.s32 $0x40;
	s3 =	sadd.s32 s1, s3  }
0x25: {  	s0 =	sadd.s32 s0, s1;
	[dreg:$0x17] =	wrdreg s3;
	s3 =	sshrl.u32 s15, $0x3  }
0x26: {  	s13 =	simm.s32 $0x9;
	[dreg:$0x1c] =	wrdreg s0;
	s3 =	sadd.s32 s1, s3  }
0x27: {  	v0 =	vimm.f32 $0.0e+00;
	s15 =	simm.s32 $0x10;
	[dreg:$0x18] =	wrdreg s3;
	s3 =	simm.s32 $0x1400  }
.LBB2_1:
0x28: {  	[dreg:$0x1d] =	wrdreg s4  }
0x29: {  	s0 =	rddreg [dreg:$0xb]  }
0x2a: {  	[tilespmem:s30], [sflag:$0x1] =	stream.linear.gather [hbm4b:s0+s29], $0x4E20, $0x38;
	[tilespmem:$0x1A9A0] =	vst v63  }
0x2b: {  	s20 =	rddreg [dreg:$0xc]  }
0x2c: {  	[tilespmem:s29], [sflag:$0x2] =	stream.strided.gather [hbm4b:s20+s25], $0x1400, s26, s25, $0x38;
	[tilespmem:$0x1A9A0] =	vst v63  }
0x2d: {  	s28 =	rddreg [dreg:$0xd]  }
0x2e: {  	[tilespmem:s3], [sflag:$0x3] =	stream.strided.gather [hbm4b:s28+s25], $0x1400, s26, s25, $0x38;
	[tilespmem:$0x1A9A0] =	vst v63  }
0x2f: {  	s3 =	rddreg [dreg:$0xe]  }
0x30: {  	[tilespmem:s17], [sflag:$0x4] =	stream.strided.gather [hbm4b:s3+s25], $0x1400, s26, s25, $0x38;
	[tilespmem:$0x1A9A0] =	vst v63  }
0x31: {  	s4 =	rddreg [dreg:$0xf]  }
0x32: {  	[tilespmem:s6], [sflag:$0x5] =	stream.strided.gather [hbm4b:s4+s25], $0x1400, s26, s25, $0x38;
	[tilespmem:$0x1A9A0] =	vst v63  }
0x33: {  	s20 =	rddreg [dreg:$0x10]  }
0x34: {  	[tilespmem:s7], [sflag:$0x6] =	stream.strided.gather [hbm4b:s20+s25], $0x1400, s26, s25, $0x38;
	[tilespmem:$0x1A9A0] =	vst v63  }
0x35: {  	s28 =	rddreg [dreg:$0x11];
	s3 =	simm.s32 $0x0;
	s4 =	simm.s32 $0x100  }
0x36: {  	[tilespmem:s8], [sflag:$0x7] =	stream.strided.gather [hbm4b:s28+s25], $0x1400, s26, s25, $0x38;
	[tilespmem:$0x1A9A0] =	vst v63  }
.LBB2_2:
0x37: {  	p0 =	sne.s32 s4, $0x7C00;
	[tilespmem:s3+$0xEE50] =	vst v0;
	s28 =	smov.u32 s4;
	s4 =	sadd.s32 $0x100, s4  }
.Ltmp0:
0x38: {  	[tilespmem:s3+$0xEE40] =	vst v0;
	(pc) =	sbr.rel @p0 .LBB2_2-.Ltmp0, $3  }
0x39: {  	[tilespmem:s3+$0xEE20] =	vst v0  }
0x3a: {  	[tilespmem:s3+$0xEE30] =	vst v0;
	_ =	sdelay $0x1  }
0x3b: {  	s3 =	sshra.s32 s28, $0x2  }
0x3c: {  	[tilespmem:s3+$0xEE50] =	vst v0  }
0x3d: {  	[tilespmem:s3+$0xEE40] =	vst v0  }
0x3e: {  	[tilespmem:s3+$0xEE20] =	vst v0  }
0x3f: {  	[tilespmem:s3+$0xEE30] =	vst v0;
	s3 =	simm.s32 $0xEE20  }
0x40: {  	[spmem:s11] =	stream.linear.scatter [tilespmem:s3], [sflag:$0xA], $0x1F40, $0x38;
	[tilespmem:$0x1A9A0] =	vst v63  }
0x41: {  	s0 =	rddreg [dreg:$0x13]  }
0x42: {  	[spmem:s0] =	stream.linear.scatter [tilespmem:s3], [sflag:$0xB], $0x1F40, $0x38;
	[tilespmem:$0x1A9A0] =	vst v63  }
0x43: {  	s4 =	rddreg [dreg:$0x14]  }
0x44: {  	[spmem:s4] =	stream.linear.scatter [tilespmem:s3], [sflag:$0xC], $0x1F40, $0x38;
	[tilespmem:$0x1A9A0] =	vst v63  }
0x45: {  	s11 =	rddreg [dreg:$0x15]  }
0x46: {  	[spmem:s11] =	stream.linear.scatter [tilespmem:s3], [sflag:$0xD], $0x1F40, $0x38;
	[tilespmem:$0x1A9A0] =	vst v63  }
0x47: {  	s20 =	rddreg [dreg:$0x16]  }
0x48: {  	[spmem:s20] =	stream.linear.scatter [tilespmem:s3], [sflag:$0xE], $0x1F40, $0x38;
	[tilespmem:$0x1A9A0] =	vst v63  }
0x49: {  	_ =	swait.ge [sflag:s9], $0x1F40  }
0x4a: {  	[sflag:s9] =	ssyncset.done $0x0  }
0x4b: {  	[sflag:s9] =	ssyncadd.s32 $0xFFFFE0C0  }
0x4c: {  	_ =	swait.ge [sflag:s10], $0x1F40  }
0x4d: {  	[sflag:s10] =	ssyncset.done $0x0  }
0x4e: {  	[sflag:s10] =	ssyncadd.s32 $0xFFFFE0C0  }
0x4f: {  	_ =	swait.ge [sflag:s12], $0x1F40  }
0x50: {  	[sflag:s12] =	ssyncset.done $0x0  }
0x51: {  	[sflag:s12] =	ssyncadd.s32 $0xFFFFE0C0  }
0x52: {  	_ =	swait.ge [sflag:s16], $0x1F40  }
0x53: {  	[sflag:s16] =	ssyncset.done $0x0  }
0x54: {  	[sflag:s16] =	ssyncadd.s32 $0xFFFFE0C0  }
0x55: {  	_ =	swait.ge [sflag:s18], $0x1F40  }
0x56: {  	[sflag:s18] =	ssyncset.done $0x0  }
0x57: {  	[sflag:s18] =	ssyncadd.s32 $0xFFFFE0C0  }
0x58: {  	_ =	swait.ge [sflag:s31], $0x4E20  }
0x59: {  	[sflag:s31] =	ssyncset.done $0x0  }
0x5a: {  	[sflag:s31] =	ssyncadd.s32 $0xFFFFB1E0  }
0x5b: {  	[bflag:$0x0] =	sbarrier.arrive $0xFFFF  }
0x5c: {  	_ =	swait.ge [sflag:s19], $0x1400  }
0x5d: {  	[sflag:s19] =	ssyncset.done $0x0  }
0x5e: {  	s3 =	simm.s32 $0x0;
	[sflag:s19] =	ssyncadd.s32 $0xFFFFEC00  }
0x5f: {  	[spmem:s2] =	stream.indirect.scatter.add.f32 [tilespmem:s3], [sflag:$0xA], $0x40, s30, s14, $0xb8;
	[tilespmem:$0x1A9A0] =	vst v63  }
0x60: {  	s4 =	rddreg [dreg:$0x17];
	s30 =	simm.s32 $0x3  }
0x61: {  	[tilespmem:s24], [sflag:$0x8] =	stream.strided.gather [hbm4b:s4+s25], $0x1400, s26, s25, $0x38;
	[tilespmem:$0x1A9A0] =	vst v63  }
0x62: {  	_ =	swait.ge [sflag:s30], $0x1400  }
0x63: {  	[sflag:s30] =	ssyncset.done $0x0  }
0x64: {  	s11 =	simm.s32 $0xA050;
	s24 =	simm.s32 $0x1400;
	[sflag:s30] =	ssyncadd.s32 $0xFFFFEC00  }
0x65: {  	[spmem:s2] =	stream.indirect.scatter.add.f32 [tilespmem:s24], [sflag:$0xB], $0x40, s11, s14, $0xb8;
	[tilespmem:$0x1A9A0] =	vst v63  }
0x66: {  	s31 =	simm.s32 $0x4;
	s4 =	rddreg [dreg:$0x18];
	s11 =	simm.s32 $0x8C00  }
0x67: {  	[tilespmem:s11], [sflag:$0x9] =	stream.strided.gather [hbm4b:s4+s25], $0x1400, s26, s25, $0x38;
	[tilespmem:$0x1A9A0] =	vst v63  }
0x68: {  	_ =	swait.ge [sflag:s31], $0x1400  }
0x69: {  	[sflag:s31] =	ssyncset.done $0x0  }
0x6a: {  	s4 =	simm.s32 $0xA0A0;
	[sflag:s31] =	ssyncadd.s32 $0xFFFFEC00  }
0x6b: {  	[spmem:s2] =	stream.indirect.scatter.add.f32 [tilespmem:s17], [sflag:$0xC], $0x40, s4, s14, $0xb8;
	[tilespmem:$0x1A9A0] =	vst v63  }
0x6c: {  	_ =	swait.ge [sflag:s9], $0x1400  }
0x6d: {  	s0 =	rddreg [dreg:$0x1b]  }
0x6e: {  	[sflag:s9] =	ssyncset.done $0x0;
	s4 =	sshrl.u32 s0, $0x3  }
0x6f: {  	[sflag:s9] =	ssyncadd.s32 $0xFFFFEC00;
	s9 =	simm.s32 $0x5;
	s4 =	sadd.s32 s1, s4  }
0x70: {  	[tilespmem:s29], [sflag:$0x2] =	stream.strided.gather [hbm4b:s4+s25], $0x1400, s26, s25, $0x38;
	[tilespmem:$0x1A9A0] =	vst v63  }
0x71: {  	_ =	swait.ge [sflag:s9], $0x1400  }
0x72: {  	[sflag:s9] =	ssyncset.done $0x0  }
0x73: {  	[sflag:s9] =	ssyncadd.s32 $0xFFFFEC00;
	s9 =	simm.s32 $0xA0F0  }
0x74: {  	[spmem:s2] =	stream.indirect.scatter.add.f32 [tilespmem:s6], [sflag:$0xD], $0x40, s9, s14, $0xb8;
	[tilespmem:$0x1A9A0] =	vst v63  }
0x75: {  	_ =	swait.ge [sflag:s10], $0x1400  }
0x76: {  	[sflag:s10] =	ssyncset.done $0x0  }
0x77: {  	s9 =	rddreg [dreg:$0x1c];
	[sflag:s10] =	ssyncadd.s32 $0xFFFFEC00;
	s10 =	simm.s32 $0x6  }
0x78: {  	[tilespmem:s24], [sflag:$0x3] =	stream.strided.gather [hbm4b:s9+s25], $0x1400, s26, s25, $0x38;
	[tilespmem:$0x1A9A0] =	vst v63  }
0x79: {  	_ =	swait.ge [sflag:s10], $0x1400  }
0x7a: {  	[sflag:s10] =	ssyncset.done $0x0  }
0x7b: {  	[sflag:s10] =	ssyncadd.s32 $0xFFFFEC00;
	s10 =	simm.s32 $0xA140  }
0x7c: {  	[spmem:s2] =	stream.indirect.scatter.add.f32 [tilespmem:s7], [sflag:$0xE], $0x40, s10, s14, $0xb8;
	[tilespmem:$0x1A9A0] =	vst v63  }
0x7d: {  	s10 =	smin.u32 s3, $0xEF  }
0x7e: {  	_ =	swait.ge [sflag:s12], $0x1400;
	s4 =	smul.u32 $0x50, s10  }
0x7f: {  	s28 =	rddreg [dreg:$0x5]  }
0x80: {  	s4 =	sadd.s32 s4, s28  }
0x81: {  	s4 =	sshll.u32 s4, $0x7  }
0x82: {  	s4 =	sor.u32 s5, s4  }
0x83: {  	[sflag:s12] =	ssyncset.done $0x0;
	s4 =	sshrl.u32 s4, $0x3  }
0x84: {  	s10 =	simm.s32 $0x7;
	[sflag:s12] =	ssyncadd.s32 $0xFFFFEC00;
	s4 =	sadd.s32 s1, s4  }
0x85: {  	[tilespmem:s17], [sflag:$0x4] =	stream.strided.gather [hbm4b:s4+s25], $0x1400, s26, s25, $0x38;
	[tilespmem:$0x1A9A0] =	vst v63  }
0x86: {  	_ =	swait.ge [sflag:s10], $0x1400  }
0x87: {  	[sflag:s10] =	ssyncset.done $0x0  }
0x88: {  	s12 =	simm.s32 $0xA190;
	s17 =	smin.u32 s3, $0xEE;
	[sflag:s10] =	ssyncadd.s32 $0xFFFFEC00  }
0x89: {  	[spmem:s2] =	stream.indirect.scatter.add.f32 [tilespmem:s8], [sflag:$0xF], $0x40, s12, s14, $0xb8;
	[tilespmem:$0x1A9A0] =	vst v63  }
0x8a: {  	s4 =	smul.u32 $0x50, s17;
	_ =	swait.ge [sflag:s16], $0x1400  }
0x8b: {  	s28 =	rddreg [dreg:$0x6]  }
0x8c: {  	s4 =	sadd.s32 s4, s28  }
0x8d: {  	s4 =	sshll.u32 s4, $0x7  }
0x8e: {  	s4 =	sor.u32 s5, s4  }
0x8f: {  	[sflag:s16] =	ssyncset.done $0x0;
	s4 =	sshrl.u32 s4, $0x3  }
0x90: {  	[sflag:s16] =	ssyncadd.s32 $0xFFFFEC00;
	s4 =	sadd.s32 s1, s4  }
0x91: {  	[tilespmem:s6], [sflag:$0x5] =	stream.strided.gather [hbm4b:s4+s25], $0x1400, s26, s25, $0x38;
	[tilespmem:$0x1A9A0] =	vst v63  }
0x92: {  	_ =	swait.ge [sflag:s23], $0x1400  }
0x93: {  	s20 =	simm.s32 $0x7800;
	[sflag:s23] =	ssyncset.done $0x0  }
0x94: {  	s10 =	smin.u32 s3, $0xED;
	s6 =	simm.s32 $0xA1E0;
	[sflag:s23] =	ssyncadd.s32 $0xFFFFEC00  }
0x95: {  	[spmem:s2] =	stream.indirect.scatter.add.f32 [tilespmem:s20], [sflag:$0x10], $0x40, s6, s14, $0xb8;
	[tilespmem:$0x1A9A0] =	vst v63  }
0x96: {  	s4 =	smul.u32 $0x50, s10;
	_ =	swait.ge [sflag:s18], $0x1400  }
0x97: {  	s28 =	rddreg [dreg:$0x7]  }
0x98: {  	s4 =	sadd.s32 s4, s28  }
0x99: {  	s4 =	sshll.u32 s4, $0x7  }
0x9a: {  	s4 =	sor.u32 s5, s4  }
0x9b: {  	[sflag:s18] =	ssyncset.done $0x0;
	s4 =	sshrl.u32 s4, $0x3  }
0x9c: {  	[sflag:s18] =	ssyncadd.s32 $0xFFFFEC00;
	s4 =	sadd.s32 s1, s4  }
0x9d: {  	[tilespmem:s7], [sflag:$0x6] =	stream.strided.gather [hbm4b:s4+s25], $0x1400, s26, s25, $0x38;
	[tilespmem:$0x1A9A0] =	vst v63  }
0x9e: {  	_ =	swait.ge [sflag:s13], $0x1400  }
0x9f: {  	[sflag:s13] =	ssyncset.done $0x0  }
0xa0: {  	s12 =	simm.s32 $0xA230;
	[sflag:s13] =	ssyncadd.s32 $0xFFFFEC00  }
0xa1: {  	[spmem:s2] =	stream.indirect.scatter.add.f32 [tilespmem:s11], [sflag:$0x11], $0x40, s12, s14, $0xb8;
	[tilespmem:$0x1A9A0] =	vst v63  }
0xa2: {  	s16 =	smin.u32 s3, $0xEC;
	s11 =	simm.s32 $0xF  }
0xa3: {  	s4 =	smul.u32 $0x50, s16;
	_ =	swait.ge [sflag:s11], $0x1400  }
0xa4: {  	s28 =	rddreg [dreg:$0x8]  }
0xa5: {  	s4 =	sadd.s32 s4, s28  }
0xa6: {  	s4 =	sshll.u32 s4, $0x7  }
0xa7: {  	s4 =	sor.u32 s5, s4  }
0xa8: {  	[sflag:s11] =	ssyncset.done $0x0;
	s4 =	sshrl.u32 s4, $0x3  }
0xa9: {  	[sflag:s11] =	ssyncadd.s32 $0xFFFFEC00;
	s4 =	sadd.s32 s1, s4  }
0xaa: {  	[tilespmem:s8], [sflag:$0x7] =	stream.strided.gather [hbm4b:s4+s25], $0x1400, s26, s25, $0x38;
	[tilespmem:$0x1A9A0] =	vst v63  }
0xab: {  	_ =	swait.ge [sflag:s19], $0x1400  }
0xac: {  	[sflag:s19] =	ssyncset.done $0x0  }
0xad: {  	s17 =	simm.s32 $0xA280;
	s18 =	smin.u32 s3, $0xEB;
	[sflag:s19] =	ssyncadd.s32 $0xFFFFEC00  }
0xae: {  	[spmem:s2] =	stream.indirect.scatter.add.f32 [tilespmem:s29], [sflag:$0xA], $0x40, s17, s14, $0xb8;
	[tilespmem:$0x1A9A0] =	vst v63  }
0xaf: {  	s4 =	smul.u32 $0x50, s18;
	_ =	swait.ge [sflag:s15], $0x1400  }
0xb0: {  	s28 =	rddreg [dreg:$0x9]  }
0xb1: {  	s4 =	sadd.s32 s4, s28  }
0xb2: {  	s4 =	sshll.u32 s4, $0x7  }
0xb3: {  	s4 =	sor.u32 s5, s4  }
0xb4: {  	[sflag:s15] =	ssyncset.done $0x0;
	s4 =	sshrl.u32 s4, $0x3  }
0xb5: {  	[sflag:s15] =	ssyncadd.s32 $0xFFFFEC00;
	s4 =	sadd.s32 s1, s4  }
0xb6: {  	[tilespmem:s20], [sflag:$0x8] =	stream.strided.gather [hbm4b:s4+s25], $0x1400, s26, s25, $0x38;
	[tilespmem:$0x1A9A0] =	vst v63  }
0xb7: {  	_ =	swait.ge [sflag:s30], $0x1400  }
0xb8: {  	[sflag:s30] =	ssyncset.done $0x0  }
0xb9: {  	s19 =	simm.s32 $0xA2D0;
	[sflag:s30] =	ssyncadd.s32 $0xFFFFEC00  }
0xba: {  	[spmem:s2] =	stream.indirect.scatter.add.f32 [tilespmem:s24], [sflag:$0xB], $0x40, s19, s14, $0xb8;
	[tilespmem:$0x1A9A0] =	vst v63  }
0xbb: {  	s3 =	smin.u32 s3, $0xEA;
	s24 =	simm.s32 $0x11  }
0xbc: {  	s3 =	smul.u32 $0x50, s3;
	_ =	swait.ge [sflag:s24], $0x1400  }
0xbd: {  	s10 =	simm.s32 $0xB;
	s16 =	simm.s32 $0xD;
	s20 =	rddreg [dreg:$0xa]  }
0xbe: {  	s12 =	simm.s32 $0xC;
	s18 =	simm.s32 $0xE;
	s3 =	sadd.s32 s3, s20  }
0xbf: {  	s29 =	sadd.s32 $0x14000, s0;
	[sflag:s24] =	ssyncset.done $0x0;
	s4 =	sshll.u32 s3, $0x7  }
0xc0: {  	s19 =	simm.s32 $0x2;
	[sflag:s24] =	ssyncadd.s32 $0xFFFFEC00;
	s4 =	sor.u32 s5, s4  }
0xc1: {  	s3 =	simm.s32 $0xA00;
	s28 =	sshrl.u32 s4, $0x3;
	s4 =	sadd.s32 $0x2800, s9  }
0xc2: {  	s9 =	simm.s32 $0xA;
	s30 =	sadd.s32 s1, s28;
	s28 =	simm.s32 $0x8  }
.LBB2_4:
0xc3: {  	s7 =	simm.s32 $0x8C00  }
0xc4: {  	[tilespmem:s7], [sflag:$0x9] =	stream.strided.gather [hbm4b:s30+s25], $0x1400, s26, s25, $0x38;
	[tilespmem:$0x1A9A0] =	vst v63  }
0xc5: {  	s30 =	smov.u32 s3;
	_ =	swait.ge [sflag:s31], $0x1400  }
0xc6: {  	s30 =	sshra.s32 s30, $0x2;
	[sflag:s31] =	ssyncset.done $0x0  }
0xc7: {  	s8 =	simm.s32 $0x2800;
	[sflag:s31] =	ssyncadd.s32 $0xFFFFEC00;
	s31 =	sadd.s32 $0xA0A0, s30  }
0xc8: {  	[spmem:s2] =	stream.indirect.scatter.add.f32 [tilespmem:s8], [sflag:$0xC], $0x40, s31, s14, $0xb8;
	[tilespmem:$0x1A9A0] =	vst v63  }
0xc9: {  	_ =	swait.ge [sflag:s9], $0x1400  }
0xca: {  	s20 =	simm.s32 $0x0;
	s31 =	sshrl.u32 s29, $0x3;
	[sflag:s9] =	ssyncset.done $0x0  }
0xcb: {  	s0 =	simm.s32 $0x5;
	s31 =	sadd.s32 s1, s31;
	[sflag:s9] =	ssyncadd.s32 $0xFFFFEC00  }
0xcc: {  	[tilespmem:s20], [sflag:$0x2] =	stream.strided.gather [hbm4b:s31+s25], $0x1400, s26, s25, $0x38;
	[tilespmem:$0x1A9A0] =	vst v63  }
0xcd: {  	_ =	swait.ge [sflag:s0], $0x1400  }
0xce: {  	[sflag:s0] =	ssyncset.done $0x0  }
0xcf: {  	s17 =	simm.s32 $0x3C00;
	s31 =	sadd.s32 $0xA0F0, s30;
	[sflag:s0] =	ssyncadd.s32 $0xFFFFEC00  }
0xd0: {  	[spmem:s2] =	stream.indirect.scatter.add.f32 [tilespmem:s17], [sflag:$0xD], $0x40, s31, s14, $0xb8;
	[tilespmem:$0x1A9A0] =	vst v63  }
0xd1: {  	_ =	swait.ge [sflag:s10], $0x1400  }
0xd2: {  	[sflag:s10] =	ssyncset.done $0x0  }
0xd3: {  	s6 =	simm.s32 $0x1400;
	s0 =	simm.s32 $0x6;
	[sflag:s10] =	ssyncadd.s32 $0xFFFFEC00  }
0xd4: {  	[tilespmem:s6], [sflag:$0x3] =	stream.strided.gather [hbm4b:s4+s25], $0x1400, s26, s25, $0x38;
	[tilespmem:$0x1A9A0] =	vst v63  }
0xd5: {  	_ =	swait.ge [sflag:s0], $0x1400  }
0xd6: {  	[sflag:s0] =	ssyncset.done $0x0  }
0xd7: {  	s31 =	sadd.s32 $0xA140, s30;
	[sflag:s0] =	ssyncadd.s32 $0xFFFFEC00  }
0xd8: {  	[spmem:s2] =	stream.indirect.scatter.add.f32 [tilespmem:s21], [sflag:$0xE], $0x40, s31, s14, $0xb8;
	[tilespmem:$0x1A9A0] =	vst v63  }
0xd9: {  	s31 =	smin.u32 s28, $0xEF  }
0xda: {  	_ =	swait.ge [sflag:s12], $0x1400;
	s31 =	smul.u32 $0x50, s31  }
0xdb: {  	s0 =	rddreg [dreg:$0x5]  }
0xdc: {  	s0 =	sadd.s32 s31, s0  }
0xdd: {  	s0 =	sshll.u32 s0, $0x7  }
0xde: {  	s0 =	sor.u32 s5, s0  }
0xdf: {  	[sflag:s12] =	ssyncset.done $0x0;
	s0 =	sshrl.u32 s0, $0x3  }
0xe0: {  	[sflag:s12] =	ssyncadd.s32 $0xFFFFEC00;
	s0 =	sadd.s32 s1, s0  }
0xe1: {  	[tilespmem:s8], [sflag:$0x4] =	stream.strided.gather [hbm4b:s0+s25], $0x1400, s26, s25, $0x38;
	[tilespmem:$0x1A9A0] =	vst v63  }
0xe2: {  	s8 =	simm.s32 $0x7  }
0xe3: {  	_ =	swait.ge [sflag:s8], $0x1400  }
0xe4: {  	[sflag:s8] =	ssyncset.done $0x0  }
0xe5: {  	[sflag:s8] =	ssyncadd.s32 $0xFFFFEC00;
	s8 =	sadd.s32 $0xA190, s30  }
0xe6: {  	[spmem:s2] =	stream.indirect.scatter.add.f32 [tilespmem:s22], [sflag:$0xF], $0x40, s8, s14, $0xb8;
	[tilespmem:$0x1A9A0] =	vst v63  }
0xe7: {  	s8 =	smin.u32 s28, $0xEE  }
0xe8: {  	_ =	swait.ge [sflag:s16], $0x1400;
	s0 =	smul.u32 $0x50, s8  }
0xe9: {  	s31 =	rddreg [dreg:$0x6]  }
0xea: {  	s0 =	sadd.s32 s0, s31  }
0xeb: {  	s0 =	sshll.u32 s0, $0x7  }
0xec: {  	s0 =	sor.u32 s5, s0  }
0xed: {  	[sflag:s16] =	ssyncset.done $0x0;
	s0 =	sshrl.u32 s0, $0x3  }
0xee: {  	[sflag:s16] =	ssyncadd.s32 $0xFFFFEC00;
	s0 =	sadd.s32 s1, s0  }
0xef: {  	[tilespmem:s17], [sflag:$0x5] =	stream.strided.gather [hbm4b:s0+s25], $0x1400, s26, s25, $0x38;
	[tilespmem:$0x1A9A0] =	vst v63  }
0xf0: {  	_ =	swait.ge [sflag:s23], $0x1400  }
0xf1: {  	[sflag:s23] =	ssyncset.done $0x0  }
0xf2: {  	s8 =	sadd.s32 $0xA1E0, s30;
	s17 =	simm.s32 $0x7800;
	[sflag:s23] =	ssyncadd.s32 $0xFFFFEC00  }
0xf3: {  	[spmem:s2] =	stream.indirect.scatter.add.f32 [tilespmem:s17], [sflag:$0x10], $0x40, s8, s14, $0xb8;
	[tilespmem:$0x1A9A0] =	vst v63  }
0xf4: {  	s8 =	smin.u32 s28, $0xED  }
0xf5: {  	_ =	swait.ge [sflag:s18], $0x1400;
	s0 =	smul.u32 $0x50, s8  }
0xf6: {  	s31 =	rddreg [dreg:$0x7]  }
0xf7: {  	s0 =	sadd.s32 s0, s31  }
0xf8: {  	s0 =	sshll.u32 s0, $0x7  }
0xf9: {  	s0 =	sor.u32 s5, s0  }
0xfa: {  	[sflag:s18] =	ssyncset.done $0x0;
	s0 =	sshrl.u32 s0, $0x3  }
0xfb: {  	[sflag:s18] =	ssyncadd.s32 $0xFFFFEC00;
	s0 =	sadd.s32 s1, s0  }
0xfc: {  	[tilespmem:s21], [sflag:$0x6] =	stream.strided.gather [hbm4b:s0+s25], $0x1400, s26, s25, $0x38;
	[tilespmem:$0x1A9A0] =	vst v63  }
0xfd: {  	_ =	swait.ge [sflag:s13], $0x1400  }
0xfe: {  	[sflag:s13] =	ssyncset.done $0x0  }
0xff: {  	s0 =	sadd.s32 $0xA230, s30;
	[sflag:s13] =	ssyncadd.s32 $0xFFFFEC00  }
0x100: {  	[spmem:s2] =	stream.indirect.scatter.add.f32 [tilespmem:s7], [sflag:$0x11], $0x40, s0, s14, $0xb8;
	[tilespmem:$0x1A9A0] =	vst v63  }
0x101: {  	s7 =	smin.u32 s28, $0xEC  }
0x102: {  	_ =	swait.ge [sflag:s11], $0x1400;
	s0 =	smul.u32 $0x50, s7  }
0x103: {  	s31 =	rddreg [dreg:$0x8]  }
0x104: {  	s0 =	sadd.s32 s0, s31  }
0x105: {  	s0 =	sshll.u32 s0, $0x7  }
0x106: {  	s0 =	sor.u32 s5, s0  }
0x107: {  	[sflag:s11] =	ssyncset.done $0x0;
	s0 =	sshrl.u32 s0, $0x3  }
0x108: {  	[sflag:s11] =	ssyncadd.s32 $0xFFFFEC00;
	s0 =	sadd.s32 s1, s0  }
0x109: {  	[tilespmem:s22], [sflag:$0x7] =	stream.strided.gather [hbm4b:s0+s25], $0x1400, s26, s25, $0x38;
	[tilespmem:$0x1A9A0] =	vst v63  }
0x10a: {  	_ =	swait.ge [sflag:s19], $0x1400  }
0x10b: {  	[sflag:s19] =	ssyncset.done $0x0  }
0x10c: {  	s7 =	sadd.s32 $0xA280, s30;
	[sflag:s19] =	ssyncadd.s32 $0xFFFFEC00  }
0x10d: {  	[spmem:s2] =	stream.indirect.scatter.add.f32 [tilespmem:s20], [sflag:$0xA], $0x40, s7, s14, $0xb8;
	[tilespmem:$0x1A9A0] =	vst v63  }
0x10e: {  	s20 =	smin.u32 s28, $0xEB  }
0x10f: {  	_ =	swait.ge [sflag:s15], $0x1400;
	s0 =	smul.u32 $0x50, s20  }
0x110: {  	s31 =	rddreg [dreg:$0x9]  }
0x111: {  	s0 =	sadd.s32 s0, s31  }
0x112: {  	s0 =	sshll.u32 s0, $0x7  }
0x113: {  	s0 =	sor.u32 s5, s0  }
0x114: {  	[sflag:s15] =	ssyncset.done $0x0;
	s0 =	sshrl.u32 s0, $0x3  }
0x115: {  	s7 =	simm.s32 $0x3;
	[sflag:s15] =	ssyncadd.s32 $0xFFFFEC00;
	s0 =	sadd.s32 s1, s0  }
0x116: {  	[tilespmem:s17], [sflag:$0x8] =	stream.strided.gather [hbm4b:s0+s25], $0x1400, s26, s25, $0x38;
	[tilespmem:$0x1A9A0] =	vst v63  }
0x117: {  	_ =	swait.ge [sflag:s7], $0x1400  }
0x118: {  	[sflag:s7] =	ssyncset.done $0x0  }
0x119: {  	s20 =	smin.u32 s28, $0xEA;
	s17 =	sadd.s32 $0xA2D0, s30;
	[sflag:s7] =	ssyncadd.s32 $0xFFFFEC00  }
0x11a: {  	[spmem:s2] =	stream.indirect.scatter.add.f32 [tilespmem:s6], [sflag:$0xB], $0x40, s17, s14, $0xb8;
	[tilespmem:$0x1A9A0] =	vst v63  }
0x11b: {  	s0 =	smul.u32 $0x50, s20;
	_ =	swait.ge [sflag:s24], $0x1400  }
0x11c: {  	p0 =	sne.s32 s3, $0x12C00;
	s30 =	rddreg [dreg:$0xa]  }
.Ltmp1:
0x11d: {  	s0 =	sadd.s32 s0, s30;
	(pc) =	sbr.rel @p0 .LBB2_4-.Ltmp1, $4  }
0x11e: {  	s3 =	sadd.s32 $0xA00, s3;
	s29 =	sadd.s32 $0x14000, s29;
	s0 =	sshll.u32 s0, $0x7  }
0x11f: {  	s4 =	sadd.s32 $0x2800, s4;
	s8 =	simm.s32 $0x8C00;
	s0 =	sor.u32 s5, s0  }
0x120: {  	s28 =	sadd.s32 $0x8, s28;
	[sflag:s24] =	ssyncset.done $0x0;
	s0 =	sshrl.u32 s0, $0x3  }
0x121: {  	s31 =	simm.s32 $0x4;
	[sflag:s24] =	ssyncadd.s32 $0xFFFFEC00;
	s30 =	sadd.s32 s1, s0  }
0x122: {  	[tilespmem:s8], [sflag:$0x9] =	stream.strided.gather [hbm4b:s30+s25], $0x1400, s26, s25, $0x38;
	[tilespmem:$0x1A9A0] =	vst v63  }
0x123: {  	_ =	swait.ge [sflag:s31], $0x1400  }
0x124: {  	[sflag:s31] =	ssyncset.done $0x0  }
0x125: {  	s0 =	simm.s32 $0x5;
	[sflag:s31] =	ssyncadd.s32 $0xFFFFEC00  }
0x126: {  	_ =	swait.ge [sflag:s0], $0x1400  }
0x127: {  	[sflag:s0] =	ssyncset.done $0x0  }
0x128: {  	s17 =	simm.s32 $0x6;
	[sflag:s0] =	ssyncadd.s32 $0xFFFFEC00  }
0x129: {  	_ =	swait.ge [sflag:s17], $0x1400  }
0x12a: {  	[sflag:s17] =	ssyncset.done $0x0  }
0x12b: {  	s18 =	simm.s32 $0x7;
	[sflag:s17] =	ssyncadd.s32 $0xFFFFEC00  }
0x12c: {  	_ =	swait.ge [sflag:s18], $0x1400  }
0x12d: {  	[sflag:s18] =	ssyncset.done $0x0  }
0x12e: {  	[sflag:s18] =	ssyncadd.s32 $0xFFFFEC00  }
0x12f: {  	_ =	swait.ge [sflag:s23], $0x1400  }
0x130: {  	[sflag:s23] =	ssyncset.done $0x0  }
0x131: {  	[sflag:s23] =	ssyncadd.s32 $0xFFFFEC00  }
0x132: {  	_ =	swait.ge [sflag:s13], $0x1400  }
0x133: {  	[sflag:s13] =	ssyncset.done $0x0  }
0x134: {  	[sflag:s13] =	ssyncadd.s32 $0xFFFFEC00  }
0x135: {  	_ =	swait.ge [sflag:s9], $0x1400  }
0x136: {  	[sflag:s9] =	ssyncset.done $0x0  }
0x137: {  	[sflag:s9] =	ssyncadd.s32 $0xFFFFEC00  }
0x138: {  	_ =	swait.ge [sflag:s10], $0x1400  }
0x139: {  	[sflag:s10] =	ssyncset.done $0x0  }
0x13a: {  	[sflag:s10] =	ssyncadd.s32 $0xFFFFEC00  }
0x13b: {  	s19 =	stileid.u32;
	s20 =	simm.s32 $0x12;
	[bflag:$0x0] =	sbarrier.arrive $0xFFFF  }
0x13c: {  	s31 =	simm.s32 $0x1;
	s0 =	sshll.u32 s19, $0x6;
	s11 =	rddreg [dreg:$0x12]  }
0x13d: {  	s0 =	sor.u32 $0x1C12, s0;
	s4 =	rddreg [dreg:$0x19];
	s3 =	sshrl.u32 s11, $0x3  }
0x13e: {  	[hbm:s4@s15], [sflag:s0] =	dma.strided [spmem:s3@s23], $0x1388, s31, $0x8   }
0x13f: {  	_ =	swait.ge [sflag:s20], $0x1388  }
0x140: {  	s24 =	rddreg [dreg:$0x1d]  }
0x141: {  	s28 =	rddreg [dreg:$0x1a];
	s4 =	sadd.s32 $0x1, s24  }
0x142: {  	s29 =	simm.s32 $0x0;
	s30 =	simm.s32 $0xA000;
	p0 =	sne.s32 s4, s28  }
.Ltmp2:
0x143: {  	s6 =	simm.s32 $0x3C00;
	s7 =	simm.s32 $0x5000;
	(pc) =	sbr.rel @p0 .LBB2_1-.Ltmp2, $4  }
0x144: {  	s8 =	simm.s32 $0x6400;
	s12 =	simm.s32 $0xC;
	s16 =	simm.s32 $0xD  }
0x145: {  	s19 =	simm.s32 $0x2;
	s17 =	simm.s32 $0x2800;
	s18 =	simm.s32 $0xE  }
0x146: {  	s9 =	simm.s32 $0xA;
	s10 =	simm.s32 $0xB;
	[sflag:s20] =	ssyncset.done $0x0  }
0x147: {  	s3 =	simm.s32 $0x1400;
	[sflag:s20] =	ssyncadd.s32 $0xFFFFEC78;
	s24 =	simm.s32 $0x7800  }
0x148: {  	_ =	sfence.sel $0x180000  }
0x149: {  	[bflag:$0x0] =	sbarrier.arrive $0xFFFF  }
0x14a: {  	_ =	strace $0x90000047  }
0x14b: {  	s0 =	stileid.u32;
	[bflag:$0x2] =	sbarrier.arrive $0xFFFF  }
0x14c: {  	p0 =	sne.s32 s0, $0x0;
	s0 =	rddreg [dreg:$0x4]  }
0x14d: {  	s0 =	sadd.s32 @!p0 $0x100000, s0  }
0x14e: {  	[sflag:s0] =	ssyncadd.tile.s32 @!p0 $0x1;
	_ =	shalt  }
.Lfunc_end2:
_tile_overlayer_lowered:
.L_overlay_start_2:
0x14f: {  	(tag) =	ssettag $0x2  }
0x150: {  	s0 =	rddreg [dreg:$0x0];
	s2 =	stileid.u32  }
0x151: {  	s1 =	rddreg [dreg:$0x1];
	p0 =	sne.s32 s2, $0x0  }
0x152: {  	s3 =	rddreg [dreg:$0x2];
	[bflag:$0x3] =	sbarrier.arrive $0xFFFF;
	s2 =	simm.s32 @!p0 $0x1C12  }
0x153: {  	[timem:s3], [sflag:s2] =	dma.local @!p0 [hbm:s0], s1  }
0x154: {  	s0 =	simm.s32 @!p0 $0x12  }
0x155: {  	_ =	swait.ge @!p0 [sflag:s0], s1  }
0x156: {  	s1 =	ssub.s32 @!p0 $0x0, s1;
	[sflag:s0] =	ssyncset.done @!p0 $0x0  }
0x157: {  	[sflag:s0] =	ssyncadd.s32 @!p0 s1  }
0x158: {  	[bflag:$0x3] =	sbarrier.arrive $0xFFFF  }
0x159: {  	_ =	shalt  }

</sc_bundles>
